<compile_context>
chip_gen: v7x
topology: tpu7x:2x2x1
jax: 0.10.2.dev20260603
libtpu: 0.0.44.dev20260713+nightly
codegen_flags: <defaults>
</compile_context>

<pallas_src>
import jax
import jax.numpy as jnp
import numpy as np
from jax import lax
from jax.experimental import pallas as pl
from jax.experimental.pallas import tpu as pltpu
from jax.experimental.pallas import tpu_sc as plsc

N_NODES = 10000
N_PAD = 10240
N_EDGES = 160000
D = 16
NUM_BASIS = 10
TANH_NORM = 1.5927812
RELU_NORM = float(np.sqrt(2.0))

NC, NS = 2, 16
CHUNK = 128
EDGE_ROWS = N_EDGES // CHUNK
NACT = 25
NCHUNK = EDGE_ROWS // NACT
PER_W = NCHUNK * CHUNK
ROWS_PER_TILE = N_PAD // NS

BLK = 4096
GRID = (N_EDGES + BLK - 1) // BLK


def _gather_body(src_hbm, dst_hbm, x_hbm, feat_hbm, idx_v, rows_v, sem):
  c = lax.axis_index("c")
  s = lax.axis_index("s")
  w = s * NC + c

  @pl.when(w < NACT)
  def _():
    ebase = w * PER_W
    for ihbm, col0 in ((src_hbm, 0), (dst_hbm, D)):
      pltpu.sync_copy(ihbm.at[pl.ds(ebase, PER_W)], idx_v)

      def fire(j, carry):
        pltpu.async_copy(x_hbm.at[idx_v.at[pl.ds(j * CHUNK, CHUNK)]],
                         rows_v.at[pl.ds(j * CHUNK, CHUNK)], sem)
        return carry

      lax.fori_loop(0, NCHUNK, fire, 0)
      pltpu.make_async_copy(feat_hbm.at[pl.ds(ebase, PER_W), pl.ds(col0, D)],
                            rows_v, sem).wait()
      pltpu.sync_copy(rows_v, feat_hbm.at[pl.ds(ebase, PER_W), pl.ds(col0, D)])


def _scatter_body(dst_hbm, eo_hbm, out_hbm, idx_v, rows_v, zbuf_v, acc_sh,
                  sem_ld, sem_add):
  c = lax.axis_index("c")
  s = lax.axis_index("s")
  w = s * NC + c
  row0 = s * ROWS_PER_TILE
  active = w < NACT

  zero = jnp.zeros((D,), jnp.float32)

  def zi(i, carry):
    zbuf_v[i, :] = zero
    return carry

  lax.fori_loop(0, ROWS_PER_TILE, zi, 0)

  @pl.when(active)
  def _():
    pltpu.async_copy(eo_hbm.at[pl.ds(w * PER_W, PER_W)], rows_v, sem_ld)
    pltpu.sync_copy(dst_hbm.at[pl.ds(w * NCHUNK, NCHUNK)], idx_v)

  pltpu.sync_copy(zbuf_v, acc_sh.at[pl.ds(row0, ROWS_PER_TILE)])

  @pl.when(active)
  def _():
    pltpu.make_async_copy(eo_hbm.at[pl.ds(w * PER_W, PER_W)], rows_v,
                          sem_ld).wait()

  plsc.subcore_barrier()

  @pl.when(active)
  def _():
    def fire(j, carry):
      pltpu.async_copy(rows_v.at[pl.ds(j * CHUNK, CHUNK)],
                       acc_sh.at[idx_v.at[j]], sem_add, add=True)
      return carry

    lax.fori_loop(0, NCHUNK, fire, 0)
    pltpu.make_async_copy(eo_hbm.at[pl.ds(w * PER_W, PER_W)], rows_v,
                          sem_add).wait()

  plsc.subcore_barrier()
  pltpu.sync_copy(acc_sh.at[pl.ds(row0, ROWS_PER_TILE)], zbuf_v)
  pltpu.sync_copy(zbuf_v, out_hbm.at[c, pl.ds(row0, ROWS_PER_TILE)])


def _dense_body(emb_ref, feat_ref, nrm_ref, whh_ref, w1b_ref, sw2_ref,
                r_ref, s_ref, out_ref):
  f32 = jnp.float32
  hh = jax.nn.relu(jnp.dot(emb_ref[...], whh_ref[...],
                           preferred_element_type=f32))
  h1 = hh[:, :D]
  h2 = hh[:, D:]
  m1 = jnp.dot(feat_ref[...], w1b_ref[...], preferred_element_type=f32)
  h1r = jnp.dot(h1, r_ref[...], preferred_element_type=f32)
  m2 = jnp.dot(h1r * m1, sw2_ref[...], preferred_element_type=f32)
  h2r = jnp.dot(h2, r_ref[...], preferred_element_type=f32)
  g = jnp.dot(h2r * m2, s_ref[...], preferred_element_type=f32)
  out_ref[...] = (TANH_NORM * jnp.tanh(g)) * nrm_ref[...]


def _combine_body(p_ref, o_ref):
  o_ref[...] = p_ref[0, :N_NODES] + p_ref[1, :N_NODES]


def kernel(x, edge_index, edge_vec, emb, norm, num_nodes,
           fc_w1, fc_w2, fc2_w1, fc2_w2):
  del edge_vec, num_nodes
  f32 = jnp.float32
  dst2 = edge_index[1].reshape(EDGE_ROWS, CHUNK)
  nrm2 = norm.reshape(N_EDGES, 1)

  w1a = fc_w1 * (RELU_NORM / np.sqrt(NUM_BASIS))
  w2a = fc2_w1 * (RELU_NORM / np.sqrt(NUM_BASIS))
  whh = jnp.concatenate([w1a, w2a], axis=1)
  s1 = (1.0 / np.sqrt(fc_w2.shape[0])) * (1.0 / np.sqrt(2 * D))
  w1b = fc_w2.reshape(D, 2 * D, D).transpose(1, 0, 2).reshape(2 * D, D * D) * s1
  s2 = (1.0 / np.sqrt(fc2_w2.shape[0])) * (1.0 / np.sqrt(D))
  w2b = fc2_w2.reshape(D, D, D).transpose(1, 0, 2).reshape(D, D * D) * s2
  r_mat = jnp.repeat(jnp.eye(D, dtype=f32), D, axis=1)
  s_mat = jnp.tile(jnp.eye(D, dtype=f32), (D, 1))
  sw2 = jnp.dot(s_mat, w2b)

  mesh = plsc.VectorSubcoreMesh(core_axis_name="c", subcore_axis_name="s",
                                num_cores=NC, num_subcores=NS)

  gather = pl.kernel(
      _gather_body,
      out_type=jax.ShapeDtypeStruct((N_EDGES, 2 * D), f32),
      mesh=mesh,
      scratch_types=[pltpu.VMEM((PER_W,), jnp.int32),
                     pltpu.VMEM((PER_W, D), f32),
                     pltpu.SemaphoreType.DMA],
      compiler_params=pltpu.CompilerParams(use_tc_tiling_on_sc=False),
  )
  feat = gather(edge_index[0], edge_index[1], x)

  dense = pl.pallas_call(
      _dense_body,
      grid=(GRID,),
      in_specs=[
          pl.BlockSpec((BLK, NUM_BASIS), lambda i: (i, 0)),
          pl.BlockSpec((BLK, 2 * D), lambda i: (i, 0)),
          pl.BlockSpec((BLK, 1), lambda i: (i, 0)),
          pl.BlockSpec((NUM_BASIS, 2 * D), lambda i: (0, 0)),
          pl.BlockSpec((2 * D, D * D), lambda i: (0, 0)),
          pl.BlockSpec((D * D, D * D), lambda i: (0, 0)),
          pl.BlockSpec((D, D * D), lambda i: (0, 0)),
          pl.BlockSpec((D * D, D), lambda i: (0, 0)),
      ],
      out_specs=pl.BlockSpec((BLK, D), lambda i: (i, 0)),
      out_shape=jax.ShapeDtypeStruct((N_EDGES, D), f32),
      compiler_params=pltpu.CompilerParams(
          dimension_semantics=("parallel",)),
  )
  eo = dense(emb, feat, nrm2, whh, w1b, sw2, r_mat, s_mat)

  scatter = pl.kernel(
      _scatter_body,
      out_type=jax.ShapeDtypeStruct((NC, N_PAD, D), f32),
      mesh=mesh,
      scratch_types=[pltpu.VMEM((NCHUNK, CHUNK), jnp.int32),
                     pltpu.VMEM((PER_W, D), f32),
                     pltpu.VMEM((ROWS_PER_TILE, D), f32),
                     pltpu.VMEM_SHARED((N_PAD, D), f32),
                     pltpu.SemaphoreType.DMA,
                     pltpu.SemaphoreType.DMA],
      compiler_params=pltpu.CompilerParams(use_tc_tiling_on_sc=False),
  )
  parts = scatter(dst2, eo)

  combine = pl.pallas_call(
      _combine_body,
      out_shape=jax.ShapeDtypeStruct((N_NODES, D), f32),
  )
  return combine(parts)

# --- scband reference (transcript-rebuilt; emitter-appended) ---
"""Pipeline reference for scband-eq-nlmp-18013092840057 (READ-ONLY COPY).

The authoritative reference and input builder live on the scoring server;
editing this copy changes nothing except your own understanding.
"""

import jax, jax.numpy as jnp
import numpy as np

N_NODES = 10000
N_EDGES = 160000
D = 16            # multiplicity of 0e irreps for input and output
NUM_BASIS = 10
FCH = 16
W1_NUMEL = 2 * D * D   # FullyConnectedTensorProduct(32x0e, 0e+1o+2e, 16x0e): only 0e x 0e -> 0e path exists
W2_NUMEL = D * D       # FullyConnectedTensorProduct(16x0e, 0e+1o+2e, 16x0e)
TANH_NORM = 1.5927812  # e3nn normalize2mom constant for tanh
RELU_NORM = float(np.sqrt(2.0))  # e3nn normalize2mom constant for relu


def _sh_lmax2(vec):
    # e3nn o3.spherical_harmonics(lmax=2, normalize=True, normalization='component')
    r = vec / (jnp.linalg.norm(vec, axis=-1, keepdims=True) + 1e-12)
    x, y, z = r[..., 0], r[..., 1], r[..., 2]
    sh0 = jnp.ones_like(x)
    sh1 = jnp.sqrt(3.0) * jnp.stack([y, z, x], axis=-1)
    sh2 = jnp.stack([
        jnp.sqrt(15.0) * x * y,
        jnp.sqrt(15.0) * y * z,
        (jnp.sqrt(5.0) / 2.0) * (3.0 * z * z - 1.0),
        jnp.sqrt(15.0) * x * z,
        (jnp.sqrt(15.0) / 2.0) * (x * x - y * y),
    ], axis=-1)
    return jnp.concatenate([sh0[..., None], sh1, sh2], axis=-1)


def _fc(e, w1, w2):
    # e3nn nn.FullyConnectedNet([num_basis, fch, numel], relu): weight / sqrt(fan_in), normalized relu
    h = jax.nn.relu(e @ (w1 / np.sqrt(w1.shape[0]))) * RELU_NORM
    return h @ (w2 / np.sqrt(w2.shape[0]))


def setup_inputs(seed: int = 0) -> dict:
    key = jax.random.key(seed)
    ks = jax.random.split(key, 9)
    x = jax.random.normal(ks[0], (N_NODES, D), dtype=jnp.float32)
    edge_index = jax.random.randint(ks[1], (2, N_EDGES), 0, N_NODES, dtype=jnp.int32)
    edge_vec = jax.random.normal(ks[2], (N_EDGES, 3), dtype=jnp.float32)
    emb = jax.random.uniform(ks[3], (N_EDGES, NUM_BASIS), dtype=jnp.float32)
    norm = jax.random.uniform(ks[4], (N_EDGES,), dtype=jnp.float32)
    fc_w1 = jax.random.normal(ks[5], (NUM_BASIS, FCH), dtype=jnp.float32)
    fc_w2 = jax.random.normal(ks[6], (FCH, W1_NUMEL), dtype=jnp.float32)
    fc2_w1 = jax.random.normal(ks[7], (NUM_BASIS, FCH), dtype=jnp.float32)
    fc2_w2 = jax.random.normal(ks[8], (FCH, W2_NUMEL), dtype=jnp.float32)
    return {"x": x, "edge_index": edge_index, "edge_vec": edge_vec, "emb": emb,
            "norm": norm, "num_nodes": N_NODES,
            "fc_w1": fc_w1, "fc_w2": fc_w2, "fc2_w1": fc2_w1, "fc2_w2": fc2_w2}


def reference(x, edge_index, edge_vec, emb, norm, num_nodes, fc_w1, fc_w2, fc2_w1, fc2_w2):
    src = edge_index[0]
    dst = edge_index[1]
    sh = _sh_lmax2(edge_vec)
    sh0 = sh[:, 0:1]  # only the 0e x 0e -> 0e path couples for scalar irreps
    # first fully connected tensor product with per-edge generated weights
    w1 = _fc(emb, fc_w1, fc_w2).reshape(-1, 2 * D, D)
    feat = jnp.concatenate([x[src], x[dst]], axis=1)
    edge_ftr = jnp.einsum('euk,eu->ek', w1, feat) * sh0 / np.sqrt(2 * D)
    # second tensor product into gate input
    w2 = _fc(emb, fc2_w1, fc2_w2).reshape(-1, D, D)
    g = jnp.einsum('euk,eu->ek', w2, edge_ftr) * sh0 / np.sqrt(D)
    # Gate on pure-scalar output = normalized tanh activation
    gated = TANH_NORM * jnp.tanh(g)
    edge_out = gated * norm[:, None]
    num_nodes_static = x.shape[0]
    out = jax.ops.segment_sum(edge_out, dst, num_segments=num_nodes_static)
    num_nodes_arr = jnp.asarray(num_nodes)
    return out + (num_nodes_arr - num_nodes_arr).astype(out.dtype)

if __name__ == "__main__":
    import jax
    _d = setup_inputs()
    print(jax.jit(kernel)(*tuple(_d.values())))

</pallas_src>

<mosaic_0001>
#map = affine_map<(d0, d1) -> (0, 0)>
#map1 = affine_map<(d0, d1) -> (0, 0, 0)>
module attributes {stable_mosaic.version = 14 : i64} {
  func.func @_scatter_body(%arg0: i32, %arg1: i32, %arg2: memref<1250x128xi32, #tpu.memory_space<hbm>>, %arg3: memref<160000x16xf32, #tpu.memory_space<hbm>>, %arg4: memref<2x10240x16xf32, #tpu.memory_space<hbm>>, %arg5: memref<50x128xi32, #tpu.memory_space<vmem>>, %arg6: memref<6400x16xf32, #tpu.memory_space<vmem>>, %arg7: memref<640x16xf32, #tpu.memory_space<vmem>>, %arg8: memref<10240x16xf32, #tpu.memory_space<vmem_shared>>, %arg9: memref<!tpu.dma_semaphore, #tpu.memory_space<semaphore_mem>>, %arg10: memref<!tpu.dma_semaphore, #tpu.memory_space<semaphore_mem>>) attributes {dimension_semantics = [#tpu.dimension_semantics<core_parallel>, #tpu.dimension_semantics<subcore_parallel>], iteration_bounds = array<i64: 2, 16>, scalar_prefetch = 0 : i64, scratch_operands = 6 : i64, tpu.core_type = #tpu.core_type<sc_vector_subcore>, window_params = [{transform_indices = #map}, {transform_indices = #map}, {transform_indices = #map1}]} {
    %mul3A = arith.constant 2 : i32
    %mul3A_0 = arith.muli %arg1, %mul3A : i32
    %add3A = arith.addi %mul3A_0, %arg0 : i32
    %mul3A_1 = arith.constant 640 : i32
    %mul3A_2 = arith.muli %arg1, %mul3A_1 : i32
    %lt3A = arith.constant 25 : i32
    %lt3A_3 = arith.cmpi slt, %add3A, %lt3A : i32
    %broadcast_in_dim3A = arith.constant 0.000000e+00 : f32
    %broadcast_in_dim3A_4 = vector.broadcast %broadcast_in_dim3A : f32 to vector<16xf32>
    %scan3A = arith.constant 0 : i32
    %scan3A_5 = arith.constant 0 : i32
    %scan3A_6 = arith.constant 640 : i32
    %scan3A_7 = arith.addi %scan3A_5, %scan3A_6 : i32
    %scan3A_8 = arith.constant 1 : i32
    scf.for %scan3A_18 = %scan3A_5 to %scan3A_7 step %scan3A_8  : i32 {
      %swap3A = arith.index_cast %scan3A_18 : i32 to index
      %swap3A_19 = arith.constant 0 : index
      %swap3A_20 = tpu.vector_load %arg7[%swap3A, %swap3A_19] {strides = array<i32>} : memref<640x16xf32, #tpu.memory_space<vmem>>, vector<1x16xf32>,
      %swap3A_21 = vector.shape_cast %swap3A_20 : vector<1x16xf32> to vector<16xf32>
      %swap3A_22 = vector.shape_cast %broadcast_in_dim3A_4 : vector<16xf32> to vector<1x16xf32>
      tpu.vector_store %arg7[%swap3A, %swap3A_19], %swap3A_22 {strides = array<i32>} : memref<640x16xf32, #tpu.memory_space<vmem>>, vector<1x16xf32>,
    }
    %scan3A_9 = arith.constant 640 : i32
    %convert_element_type3A = arith.extui %lt3A_3 : i1 to i32
    %cond3A = arith.constant 0 : i32
    %cond3A_10 = arith.cmpi ne, %convert_element_type3A, %cond3A : i32
    scf.if %cond3A_10 {
      %mul3A_18 = arith.constant 6400 : i32
      %mul3A_19 = arith.muli %add3A, %mul3A_18 : i32
      %dma_start3A = arith.constant 0 : i32
      %dma_start3A_20 = tpu.memref_slice %arg3[%mul3A_19, %dma_start3A] : memref<160000x16xf32, #tpu.memory_space<hbm>> -> memref<6400x16xf32, #tpu.memory_space<hbm>>
      %dma_start3A_21 = arith.constant 0 : i32
      %dma_start3A_22 = tpu.memref_slice %arg3[%mul3A_19, %dma_start3A_21] : memref<160000x16xf32, #tpu.memory_space<hbm>> -> memref<6400x16xf32, #tpu.memory_space<hbm>>
      tpu.enqueue_dma source(%dma_start3A_22 : memref<6400x16xf32, #tpu.memory_space<hbm>>) target(%arg6 : memref<6400x16xf32, #tpu.memory_space<vmem>>) target_semaphore(%arg9 : memref<!tpu.dma_semaphore, #tpu.memory_space<semaphore_mem>>)
      %mul3A_23 = arith.constant 50 : i32
      %mul3A_24 = arith.muli %add3A, %mul3A_23 : i32
      "tpu.region"() ({
        %run_scoped3A = tpu.sem_alloc : memref<!tpu.dma_semaphore, #tpu.memory_space<semaphore_mem>>
        %dma_start3A_25 = arith.constant 0 : i32
        %dma_start3A_26 = tpu.memref_slice %arg2[%mul3A_24, %dma_start3A_25] : memref<1250x128xi32, #tpu.memory_space<hbm>> -> memref<50x128xi32, #tpu.memory_space<hbm>>
        %dma_start3A_27 = arith.constant 0 : i32
        %dma_start3A_28 = tpu.memref_slice %arg2[%mul3A_24, %dma_start3A_27] : memref<1250x128xi32, #tpu.memory_space<hbm>> -> memref<50x128xi32, #tpu.memory_space<hbm>>
        tpu.enqueue_dma source(%dma_start3A_28 : memref<50x128xi32, #tpu.memory_space<hbm>>) target(%arg5 : memref<50x128xi32, #tpu.memory_space<vmem>>) target_semaphore(%run_scoped3A : memref<!tpu.dma_semaphore, #tpu.memory_space<semaphore_mem>>)
        %dma_wait3A = arith.constant 0 : i32
        %dma_wait3A_29 = tpu.memref_slice %arg2[%mul3A_24, %dma_wait3A] : memref<1250x128xi32, #tpu.memory_space<hbm>> -> memref<50x128xi32, #tpu.memory_space<hbm>>
        %dma_wait3A_30 = arith.constant 0 : i32
        %dma_wait3A_31 = tpu.memref_slice %arg2[%mul3A_24, %dma_wait3A_30] : memref<1250x128xi32, #tpu.memory_space<hbm>> -> memref<50x128xi32, #tpu.memory_space<hbm>>
        tpu.wait_dma2 semaphore(%run_scoped3A : memref<!tpu.dma_semaphore, #tpu.memory_space<semaphore_mem>>) src(%dma_wait3A_31 : memref<50x128xi32, #tpu.memory_space<hbm>>) dst(%arg5 : memref<50x128xi32, #tpu.memory_space<vmem>>)
        tpu.yield
      }) : () -> ()
    } else {
    }
    "tpu.region"() ({
      %run_scoped3A = tpu.sem_alloc : memref<!tpu.dma_semaphore, #tpu.memory_space<semaphore_mem>>
      %dma_start3A = arith.constant 0 : i32
      %dma_start3A_18 = tpu.memref_slice %arg8[%mul3A_2, %dma_start3A] : memref<10240x16xf32, #tpu.memory_space<vmem_shared>> -> memref<640x16xf32, #tpu.memory_space<vmem_shared>>
      %dma_start3A_19 = arith.constant 0 : i32
      %dma_start3A_20 = tpu.memref_slice %arg8[%mul3A_2, %dma_start3A_19] : memref<10240x16xf32, #tpu.memory_space<vmem_shared>> -> memref<640x16xf32, #tpu.memory_space<vmem_shared>>
      tpu.enqueue_dma source(%arg7 : memref<640x16xf32, #tpu.memory_space<vmem>>) target(%dma_start3A_20 : memref<640x16xf32, #tpu.memory_space<vmem_shared>>) target_semaphore(%run_scoped3A : memref<!tpu.dma_semaphore, #tpu.memory_space<semaphore_mem>>)
      %dma_wait3A = arith.constant 0 : i32
      %dma_wait3A_21 = tpu.memref_slice %arg8[%mul3A_2, %dma_wait3A] : memref<10240x16xf32, #tpu.memory_space<vmem_shared>> -> memref<640x16xf32, #tpu.memory_space<vmem_shared>>
      %dma_wait3A_22 = arith.constant 0 : i32
      %dma_wait3A_23 = tpu.memref_slice %arg8[%mul3A_2, %dma_wait3A_22] : memref<10240x16xf32, #tpu.memory_space<vmem_shared>> -> memref<640x16xf32, #tpu.memory_space<vmem_shared>>
      tpu.wait_dma2 semaphore(%run_scoped3A : memref<!tpu.dma_semaphore, #tpu.memory_space<semaphore_mem>>) src(%arg7 : memref<640x16xf32, #tpu.memory_space<vmem>>) dst(%dma_wait3A_23 : memref<640x16xf32, #tpu.memory_space<vmem_shared>>)
      tpu.yield
    }) : () -> ()
    %convert_element_type3A_11 = arith.extui %lt3A_3 : i1 to i32
    %cond3A_12 = arith.constant 0 : i32
    %cond3A_13 = arith.cmpi ne, %convert_element_type3A_11, %cond3A_12 : i32
    scf.if %cond3A_13 {
      %mul3A_18 = arith.constant 6400 : i32
      %mul3A_19 = arith.muli %add3A, %mul3A_18 : i32
      %dma_wait3A = arith.constant 0 : i32
      %dma_wait3A_20 = tpu.memref_slice %arg3[%mul3A_19, %dma_wait3A] : memref<160000x16xf32, #tpu.memory_space<hbm>> -> memref<6400x16xf32, #tpu.memory_space<hbm>>
      %dma_wait3A_21 = arith.constant 0 : i32
      %dma_wait3A_22 = tpu.memref_slice %arg3[%mul3A_19, %dma_wait3A_21] : memref<160000x16xf32, #tpu.memory_space<hbm>> -> memref<6400x16xf32, #tpu.memory_space<hbm>>
      tpu.wait_dma2 semaphore(%arg9 : memref<!tpu.dma_semaphore, #tpu.memory_space<semaphore_mem>>) src(%dma_wait3A_22 : memref<6400x16xf32, #tpu.memory_space<hbm>>) dst(%arg6 : memref<6400x16xf32, #tpu.memory_space<vmem>>)
    } else {
    }
    %barrier3A = arith.constant 0 : index
    tpu.barrier barrier_id(%barrier3A)
    %convert_element_type3A_14 = arith.extui %lt3A_3 : i1 to i32
    %cond3A_15 = arith.constant 0 : i32
    %cond3A_16 = arith.cmpi ne, %convert_element_type3A_14, %cond3A_15 : i32
    scf.if %cond3A_16 {
      %scan3A_18 = arith.constant 0 : i32
      %scan3A_19 = arith.constant 0 : i32
      %scan3A_20 = arith.constant 50 : i32
      %scan3A_21 = arith.addi %scan3A_19, %scan3A_20 : i32
      %scan3A_22 = arith.constant 1 : i32
      scf.for %scan3A_29 = %scan3A_19 to %scan3A_21 step %scan3A_22  : i32 {
        %mul3A_30 = arith.constant 128 : i32
        %mul3A_31 = arith.muli %scan3A_29, %mul3A_30 : i32
        %dma_start3A = arith.constant 0 : i32
        %dma_start3A_32 = tpu.memref_slice %arg6[%mul3A_31, %dma_start3A] : memref<6400x16xf32, #tpu.memory_space<vmem>> -> memref<128x16xf32, #tpu.memory_space<vmem>>
        %dma_start3A_33 = arith.constant 0 : i32
        %dma_start3A_34 = tpu.memref_slice %arg5[%scan3A_29, %dma_start3A_33] : memref<50x128xi32, #tpu.memory_space<vmem>> -> memref<1x128xi32, #tpu.memory_space<vmem>>
        %dma_start3A_35 = tpu.memref_squeeze %dma_start3A_34 : memref<1x128xi32, #tpu.memory_space<vmem>> -> memref<128xi32, #tpu.memory_space<vmem>>
        %dma_start3A_36 = arith.constant 0 : i32
        %dma_start3A_37 = arith.constant 0 : i32
        %dma_start3A_38 = tpu.memref_slice %arg8[%dma_start3A_36, %dma_start3A_37] : memref<10240x16xf32, #tpu.memory_space<vmem_shared>> -> memref<10240x16xf32, #tpu.memory_space<vmem_shared>>
        tpu.enqueue_indirect_dma source(%dma_start3A_32 : memref<128x16xf32, #tpu.memory_space<vmem>>) target(%dma_start3A_38 : memref<10240x16xf32, #tpu.memory_space<vmem_shared>>) offsets(%dma_start3A_35 : memref<128xi32, #tpu.memory_space<vmem>>) semaphore(%arg10 : memref<!tpu.dma_semaphore, #tpu.memory_space<semaphore_mem>>) {add = true}
      }
      %scan3A_23 = arith.constant 50 : i32
      %mul3A_24 = arith.constant 6400 : i32
      %mul3A_25 = arith.muli %add3A, %mul3A_24 : i32
      %dma_wait3A = arith.constant 0 : i32
      %dma_wait3A_26 = tpu.memref_slice %arg3[%mul3A_25, %dma_wait3A] : memref<160000x16xf32, #tpu.memory_space<hbm>> -> memref<6400x16xf32, #tpu.memory_space<hbm>>
      %dma_wait3A_27 = arith.constant 0 : i32
      %dma_wait3A_28 = tpu.memref_slice %arg3[%mul3A_25, %dma_wait3A_27] : memref<160000x16xf32, #tpu.memory_space<hbm>> -> memref<6400x16xf32, #tpu.memory_space<hbm>>
      tpu.wait_dma2 semaphore(%arg10 : memref<!tpu.dma_semaphore, #tpu.memory_space<semaphore_mem>>) src(%dma_wait3A_28 : memref<6400x16xf32, #tpu.memory_space<hbm>>) dst(%arg6 : memref<6400x16xf32, #tpu.memory_space<vmem>>)
    } else {
    }
    %barrier3A_17 = arith.constant 0 : index
    tpu.barrier barrier_id(%barrier3A_17)
    "tpu.region"() ({
      %run_scoped3A = tpu.sem_alloc : memref<!tpu.dma_semaphore, #tpu.memory_space<semaphore_mem>>
      %dma_start3A = arith.constant 0 : i32
      %dma_start3A_18 = tpu.memref_slice %arg8[%mul3A_2, %dma_start3A] : memref<10240x16xf32, #tpu.memory_space<vmem_shared>> -> memref<640x16xf32, #tpu.memory_space<vmem_shared>>
      %dma_start3A_19 = arith.constant 0 : i32
      %dma_start3A_20 = tpu.memref_slice %arg8[%mul3A_2, %dma_start3A_19] : memref<10240x16xf32, #tpu.memory_space<vmem_shared>> -> memref<640x16xf32, #tpu.memory_space<vmem_shared>>
      tpu.enqueue_dma source(%dma_start3A_20 : memref<640x16xf32, #tpu.memory_space<vmem_shared>>) target(%arg7 : memref<640x16xf32, #tpu.memory_space<vmem>>) target_semaphore(%run_scoped3A : memref<!tpu.dma_semaphore, #tpu.memory_space<semaphore_mem>>)
      %dma_wait3A = arith.constant 0 : i32
      %dma_wait3A_21 = tpu.memref_slice %arg8[%mul3A_2, %dma_wait3A] : memref<10240x16xf32, #tpu.memory_space<vmem_shared>> -> memref<640x16xf32, #tpu.memory_space<vmem_shared>>
      %dma_wait3A_22 = arith.constant 0 : i32
      %dma_wait3A_23 = tpu.memref_slice %arg8[%mul3A_2, %dma_wait3A_22] : memref<10240x16xf32, #tpu.memory_space<vmem_shared>> -> memref<640x16xf32, #tpu.memory_space<vmem_shared>>
      tpu.wait_dma2 semaphore(%run_scoped3A : memref<!tpu.dma_semaphore, #tpu.memory_space<semaphore_mem>>) src(%dma_wait3A_23 : memref<640x16xf32, #tpu.memory_space<vmem_shared>>) dst(%arg7 : memref<640x16xf32, #tpu.memory_space<vmem>>)
      tpu.yield
    }) : () -> ()
    "tpu.region"() ({
      %run_scoped3A = tpu.sem_alloc : memref<!tpu.dma_semaphore, #tpu.memory_space<semaphore_mem>>
      %dma_start3A = arith.constant 0 : i32
      %dma_start3A_18 = tpu.memref_slice %arg4[%arg0, %mul3A_2, %dma_start3A] : memref<2x10240x16xf32, #tpu.memory_space<hbm>> -> memref<1x640x16xf32, #tpu.memory_space<hbm>>
      %dma_start3A_19 = tpu.memref_squeeze %dma_start3A_18 : memref<1x640x16xf32, #tpu.memory_space<hbm>> -> memref<640x16xf32, #tpu.memory_space<hbm>>
      %dma_start3A_20 = arith.constant 0 : i32
      %dma_start3A_21 = tpu.memref_slice %arg4[%arg0, %mul3A_2, %dma_start3A_20] : memref<2x10240x16xf32, #tpu.memory_space<hbm>> -> memref<1x640x16xf32, #tpu.memory_space<hbm>>
      %dma_start3A_22 = tpu.memref_squeeze %dma_start3A_21 : memref<1x640x16xf32, #tpu.memory_space<hbm>> -> memref<640x16xf32, #tpu.memory_space<hbm>>
      tpu.enqueue_dma source(%arg7 : memref<640x16xf32, #tpu.memory_space<vmem>>) target(%dma_start3A_22 : memref<640x16xf32, #tpu.memory_space<hbm>>) target_semaphore(%run_scoped3A : memref<!tpu.dma_semaphore, #tpu.memory_space<semaphore_mem>>)
      %dma_wait3A = arith.constant 0 : i32
      %dma_wait3A_23 = tpu.memref_slice %arg4[%arg0, %mul3A_2, %dma_wait3A] : memref<2x10240x16xf32, #tpu.memory_space<hbm>> -> memref<1x640x16xf32, #tpu.memory_space<hbm>>
      %dma_wait3A_24 = tpu.memref_squeeze %dma_wait3A_23 : memref<1x640x16xf32, #tpu.memory_space<hbm>> -> memref<640x16xf32, #tpu.memory_space<hbm>>
      %dma_wait3A_25 = arith.constant 0 : i32
      %dma_wait3A_26 = tpu.memref_slice %arg4[%arg0, %mul3A_2, %dma_wait3A_25] : memref<2x10240x16xf32, #tpu.memory_space<hbm>> -> memref<1x640x16xf32, #tpu.memory_space<hbm>>
      %dma_wait3A_27 = tpu.memref_squeeze %dma_wait3A_26 : memref<1x640x16xf32, #tpu.memory_space<hbm>> -> memref<640x16xf32, #tpu.memory_space<hbm>>
      tpu.wait_dma2 semaphore(%run_scoped3A : memref<!tpu.dma_semaphore, #tpu.memory_space<semaphore_mem>>) src(%arg7 : memref<640x16xf32, #tpu.memory_space<vmem>>) dst(%dma_wait3A_27 : memref<640x16xf32, #tpu.memory_space<hbm>>)
      tpu.yield
    }) : () -> ()
    return
  }
}

#map = affine_map<(d0, d1) -> (0)>
#map1 = affine_map<(d0, d1) -> (0, 0)>
module attributes {stable_mosaic.version = 14 : i64} {
  func.func @_gather_body(%arg0: i32, %arg1: i32, %arg2: memref<160000xi32, #tpu.memory_space<hbm>>, %arg3: memref<160000xi32, #tpu.memory_space<hbm>>, %arg4: memref<10000x16xf32, #tpu.memory_space<hbm>>, %arg5: memref<160000x32xf32, #tpu.memory_space<hbm>>, %arg6: memref<6400xi32, #tpu.memory_space<vmem>>, %arg7: memref<6400x16xf32, #tpu.memory_space<vmem>>, %arg8: memref<!tpu.dma_semaphore, #tpu.memory_space<semaphore_mem>>) attributes {dimension_semantics = [#tpu.dimension_semantics<core_parallel>, #tpu.dimension_semantics<subcore_parallel>], iteration_bounds = array<i64: 2, 16>, scalar_prefetch = 0 : i64, scratch_operands = 3 : i64, tpu.core_type = #tpu.core_type<sc_vector_subcore>, window_params = [{transform_indices = #map}, {transform_indices = #map}, {transform_indices = #map1}, {transform_indices = #map1}]} {
    %mul3A = arith.constant 2 : i32
    %mul3A_0 = arith.muli %arg1, %mul3A : i32
    %add3A = arith.addi %mul3A_0, %arg0 : i32
    %lt3A = arith.constant 25 : i32
    %lt3A_1 = arith.cmpi slt, %add3A, %lt3A : i32
    %convert_element_type3A = arith.extui %lt3A_1 : i1 to i32
    %cond3A = arith.constant 0 : i32
    %cond3A_2 = arith.cmpi ne, %convert_element_type3A, %cond3A : i32
    scf.if %cond3A_2 {
      %mul3A_3 = arith.constant 6400 : i32
      %mul3A_4 = arith.muli %add3A, %mul3A_3 : i32
      "tpu.region"() ({
        %run_scoped3A = tpu.sem_alloc : memref<!tpu.dma_semaphore, #tpu.memory_space<semaphore_mem>>
        %dma_start3A = tpu.memref_slice %arg2[%mul3A_4] : memref<160000xi32, #tpu.memory_space<hbm>> -> memref<6400xi32, #tpu.memory_space<hbm>>
        %dma_start3A_23 = tpu.memref_slice %arg2[%mul3A_4] : memref<160000xi32, #tpu.memory_space<hbm>> -> memref<6400xi32, #tpu.memory_space<hbm>>
        tpu.enqueue_dma source(%dma_start3A_23 : memref<6400xi32, #tpu.memory_space<hbm>>) target(%arg6 : memref<6400xi32, #tpu.memory_space<vmem>>) target_semaphore(%run_scoped3A : memref<!tpu.dma_semaphore, #tpu.memory_space<semaphore_mem>>)
        %dma_wait3A_24 = tpu.memref_slice %arg2[%mul3A_4] : memref<160000xi32, #tpu.memory_space<hbm>> -> memref<6400xi32, #tpu.memory_space<hbm>>
        %dma_wait3A_25 = tpu.memref_slice %arg2[%mul3A_4] : memref<160000xi32, #tpu.memory_space<hbm>> -> memref<6400xi32, #tpu.memory_space<hbm>>
        tpu.wait_dma2 semaphore(%run_scoped3A : memref<!tpu.dma_semaphore, #tpu.memory_space<semaphore_mem>>) src(%dma_wait3A_25 : memref<6400xi32, #tpu.memory_space<hbm>>) dst(%arg6 : memref<6400xi32, #tpu.memory_space<vmem>>)
        tpu.yield
      }) : () -> ()
      %scan3A = arith.constant 0 : i32
      %scan3A_5 = arith.constant 0 : i32
      %scan3A_6 = arith.constant 50 : i32
      %scan3A_7 = arith.addi %scan3A_5, %scan3A_6 : i32
      %scan3A_8 = arith.constant 1 : i32
      scf.for %scan3A_23 = %scan3A_5 to %scan3A_7 step %scan3A_8  : i32 {
        %mul3A_24 = arith.constant 128 : i32
        %mul3A_25 = arith.muli %scan3A_23, %mul3A_24 : i32
        %mul3A_26 = arith.constant 128 : i32
        %mul3A_27 = arith.muli %scan3A_23, %mul3A_26 : i32
        %dma_start3A = arith.constant 0 : i32
        %dma_start3A_28 = tpu.memref_slice %arg7[%mul3A_27, %dma_start3A] : memref<6400x16xf32, #tpu.memory_space<vmem>> -> memref<128x16xf32, #tpu.memory_space<vmem>>
        %dma_start3A_29 = tpu.memref_slice %arg6[%mul3A_25] : memref<6400xi32, #tpu.memory_space<vmem>> -> memref<128xi32, #tpu.memory_space<vmem>>
        %dma_start3A_30 = arith.constant 0 : i32
        %dma_start3A_31 = arith.constant 0 : i32
        %dma_start3A_32 = tpu.memref_slice %arg4[%dma_start3A_30, %dma_start3A_31] : memref<10000x16xf32, #tpu.memory_space<hbm>> -> memref<10000x16xf32, #tpu.memory_space<hbm>>
        tpu.enqueue_indirect_dma source(%dma_start3A_32 : memref<10000x16xf32, #tpu.memory_space<hbm>>) target(%dma_start3A_28 : memref<128x16xf32, #tpu.memory_space<vmem>>) offsets(%dma_start3A_29 : memref<128xi32, #tpu.memory_space<vmem>>) semaphore(%arg8 : memref<!tpu.dma_semaphore, #tpu.memory_space<semaphore_mem>>)
      }
      %scan3A_9 = arith.constant 50 : i32
      %dma_wait3A = arith.constant 0 : i32
      %dma_wait3A_10 = tpu.memref_slice %arg5[%mul3A_4, %dma_wait3A] : memref<160000x32xf32, #tpu.memory_space<hbm>> -> memref<6400x16xf32, #tpu.memory_space<hbm>>
      %dma_wait3A_11 = arith.constant 0 : i32
      %dma_wait3A_12 = tpu.memref_slice %arg5[%mul3A_4, %dma_wait3A_11] : memref<160000x32xf32, #tpu.memory_space<hbm>> -> memref<6400x16xf32, #tpu.memory_space<hbm>>
      tpu.wait_dma2 semaphore(%arg8 : memref<!tpu.dma_semaphore, #tpu.memory_space<semaphore_mem>>) src(%dma_wait3A_12 : memref<6400x16xf32, #tpu.memory_space<hbm>>) dst(%arg7 : memref<6400x16xf32, #tpu.memory_space<vmem>>)
      "tpu.region"() ({
        %run_scoped3A = tpu.sem_alloc : memref<!tpu.dma_semaphore, #tpu.memory_space<semaphore_mem>>
        %dma_start3A = arith.constant 0 : i32
        %dma_start3A_23 = tpu.memref_slice %arg5[%mul3A_4, %dma_start3A] : memref<160000x32xf32, #tpu.memory_space<hbm>> -> memref<6400x16xf32, #tpu.memory_space<hbm>>
        %dma_start3A_24 = arith.constant 0 : i32
        %dma_start3A_25 = tpu.memref_slice %arg5[%mul3A_4, %dma_start3A_24] : memref<160000x32xf32, #tpu.memory_space<hbm>> -> memref<6400x16xf32, #tpu.memory_space<hbm>>
        tpu.enqueue_dma source(%arg7 : memref<6400x16xf32, #tpu.memory_space<vmem>>) target(%dma_start3A_25 : memref<6400x16xf32, #tpu.memory_space<hbm>>) target_semaphore(%run_scoped3A : memref<!tpu.dma_semaphore, #tpu.memory_space<semaphore_mem>>)
        %dma_wait3A_26 = arith.constant 0 : i32
        %dma_wait3A_27 = tpu.memref_slice %arg5[%mul3A_4, %dma_wait3A_26] : memref<160000x32xf32, #tpu.memory_space<hbm>> -> memref<6400x16xf32, #tpu.memory_space<hbm>>
        %dma_wait3A_28 = arith.constant 0 : i32
        %dma_wait3A_29 = tpu.memref_slice %arg5[%mul3A_4, %dma_wait3A_28] : memref<160000x32xf32, #tpu.memory_space<hbm>> -> memref<6400x16xf32, #tpu.memory_space<hbm>>
        tpu.wait_dma2 semaphore(%run_scoped3A : memref<!tpu.dma_semaphore, #tpu.memory_space<semaphore_mem>>) src(%arg7 : memref<6400x16xf32, #tpu.memory_space<vmem>>) dst(%dma_wait3A_29 : memref<6400x16xf32, #tpu.memory_space<hbm>>)
        tpu.yield
      }) : () -> ()
      "tpu.region"() ({
        %run_scoped3A = tpu.sem_alloc : memref<!tpu.dma_semaphore, #tpu.memory_space<semaphore_mem>>
        %dma_start3A = tpu.memref_slice %arg3[%mul3A_4] : memref<160000xi32, #tpu.memory_space<hbm>> -> memref<6400xi32, #tpu.memory_space<hbm>>
        %dma_start3A_23 = tpu.memref_slice %arg3[%mul3A_4] : memref<160000xi32, #tpu.memory_space<hbm>> -> memref<6400xi32, #tpu.memory_space<hbm>>
        tpu.enqueue_dma source(%dma_start3A_23 : memref<6400xi32, #tpu.memory_space<hbm>>) target(%arg6 : memref<6400xi32, #tpu.memory_space<vmem>>) target_semaphore(%run_scoped3A : memref<!tpu.dma_semaphore, #tpu.memory_space<semaphore_mem>>)
        %dma_wait3A_24 = tpu.memref_slice %arg3[%mul3A_4] : memref<160000xi32, #tpu.memory_space<hbm>> -> memref<6400xi32, #tpu.memory_space<hbm>>
        %dma_wait3A_25 = tpu.memref_slice %arg3[%mul3A_4] : memref<160000xi32, #tpu.memory_space<hbm>> -> memref<6400xi32, #tpu.memory_space<hbm>>
        tpu.wait_dma2 semaphore(%run_scoped3A : memref<!tpu.dma_semaphore, #tpu.memory_space<semaphore_mem>>) src(%dma_wait3A_25 : memref<6400xi32, #tpu.memory_space<hbm>>) dst(%arg6 : memref<6400xi32, #tpu.memory_space<vmem>>)
        tpu.yield
      }) : () -> ()
      %scan3A_13 = arith.constant 0 : i32
      %scan3A_14 = arith.constant 0 : i32
      %scan3A_15 = arith.constant 50 : i32
      %scan3A_16 = arith.addi %scan3A_14, %scan3A_15 : i32
      %scan3A_17 = arith.constant 1 : i32
      scf.for %scan3A_23 = %scan3A_14 to %scan3A_16 step %scan3A_17  : i32 {
        %mul3A_24 = arith.constant 128 : i32
        %mul3A_25 = arith.muli %scan3A_23, %mul3A_24 : i32
        %mul3A_26 = arith.constant 128 : i32
        %mul3A_27 = arith.muli %scan3A_23, %mul3A_26 : i32
        %dma_start3A = arith.constant 0 : i32
        %dma_start3A_28 = tpu.memref_slice %arg7[%mul3A_27, %dma_start3A] : memref<6400x16xf32, #tpu.memory_space<vmem>> -> memref<128x16xf32, #tpu.memory_space<vmem>>
        %dma_start3A_29 = tpu.memref_slice %arg6[%mul3A_25] : memref<6400xi32, #tpu.memory_space<vmem>> -> memref<128xi32, #tpu.memory_space<vmem>>
        %dma_start3A_30 = arith.constant 0 : i32
        %dma_start3A_31 = arith.constant 0 : i32
        %dma_start3A_32 = tpu.memref_slice %arg4[%dma_start3A_30, %dma_start3A_31] : memref<10000x16xf32, #tpu.memory_space<hbm>> -> memref<10000x16xf32, #tpu.memory_space<hbm>>
        tpu.enqueue_indirect_dma source(%dma_start3A_32 : memref<10000x16xf32, #tpu.memory_space<hbm>>) target(%dma_start3A_28 : memref<128x16xf32, #tpu.memory_space<vmem>>) offsets(%dma_start3A_29 : memref<128xi32, #tpu.memory_space<vmem>>) semaphore(%arg8 : memref<!tpu.dma_semaphore, #tpu.memory_space<semaphore_mem>>)
      }
      %scan3A_18 = arith.constant 50 : i32
      %dma_wait3A_19 = arith.constant 16 : i32
      %dma_wait3A_20 = tpu.memref_slice %arg5[%mul3A_4, %dma_wait3A_19] : memref<160000x32xf32, #tpu.memory_space<hbm>> -> memref<6400x16xf32, #tpu.memory_space<hbm>>
      %dma_wait3A_21 = arith.constant 16 : i32
      %dma_wait3A_22 = tpu.memref_slice %arg5[%mul3A_4, %dma_wait3A_21] : memref<160000x32xf32, #tpu.memory_space<hbm>> -> memref<6400x16xf32, #tpu.memory_space<hbm>>
      tpu.wait_dma2 semaphore(%arg8 : memref<!tpu.dma_semaphore, #tpu.memory_space<semaphore_mem>>) src(%dma_wait3A_22 : memref<6400x16xf32, #tpu.memory_space<hbm>>) dst(%arg7 : memref<6400x16xf32, #tpu.memory_space<vmem>>)
      "tpu.region"() ({
        %run_scoped3A = tpu.sem_alloc : memref<!tpu.dma_semaphore, #tpu.memory_space<semaphore_mem>>
        %dma_start3A = arith.constant 16 : i32
        %dma_start3A_23 = tpu.memref_slice %arg5[%mul3A_4, %dma_start3A] : memref<160000x32xf32, #tpu.memory_space<hbm>> -> memref<6400x16xf32, #tpu.memory_space<hbm>>
        %dma_start3A_24 = arith.constant 16 : i32
        %dma_start3A_25 = tpu.memref_slice %arg5[%mul3A_4, %dma_start3A_24] : memref<160000x32xf32, #tpu.memory_space<hbm>> -> memref<6400x16xf32, #tpu.memory_space<hbm>>
        tpu.enqueue_dma source(%arg7 : memref<6400x16xf32, #tpu.memory_space<vmem>>) target(%dma_start3A_25 : memref<6400x16xf32, #tpu.memory_space<hbm>>) target_semaphore(%run_scoped3A : memref<!tpu.dma_semaphore, #tpu.memory_space<semaphore_mem>>)
        %dma_wait3A_26 = arith.constant 16 : i32
        %dma_wait3A_27 = tpu.memref_slice %arg5[%mul3A_4, %dma_wait3A_26] : memref<160000x32xf32, #tpu.memory_space<hbm>> -> memref<6400x16xf32, #tpu.memory_space<hbm>>
        %dma_wait3A_28 = arith.constant 16 : i32
        %dma_wait3A_29 = tpu.memref_slice %arg5[%mul3A_4, %dma_wait3A_28] : memref<160000x32xf32, #tpu.memory_space<hbm>> -> memref<6400x16xf32, #tpu.memory_space<hbm>>
        tpu.wait_dma2 semaphore(%run_scoped3A : memref<!tpu.dma_semaphore, #tpu.memory_space<semaphore_mem>>) src(%arg7 : memref<6400x16xf32, #tpu.memory_space<vmem>>) dst(%dma_wait3A_29 : memref<6400x16xf32, #tpu.memory_space<hbm>>)
        tpu.yield
      }) : () -> ()
    } else {
    }
    return
  }
}

module attributes {stable_mosaic.version = 14 : i64} {
  func.func @_dense_body(%arg0: i32, %arg1: memref<4096x10xf32, #tpu.memory_space<vmem>>, %arg2: memref<4096x32xf32, #tpu.memory_space<vmem>>, %arg3: memref<4096x1xf32, #tpu.memory_space<vmem>>, %arg4: memref<10x32xf32, #tpu.memory_space<vmem>>, %arg5: memref<32x256xf32, #tpu.memory_space<vmem>>, %arg6: memref<256x256xf32, #tpu.memory_space<vmem>>, %arg7: memref<16x256xf32, #tpu.memory_space<vmem>>, %arg8: memref<256x16xf32, #tpu.memory_space<vmem>>, %arg9: memref<4096x16xf32, #tpu.memory_space<vmem>>) attributes {dimension_semantics = [#tpu.dimension_semantics<parallel>], iteration_bounds = array<i64: 40>, scalar_prefetch = 0 : i64, scratch_operands = 0 : i64, tpu.core_type = #tpu.core_type<tc>, window_params = [{transform_indices = @transform_0, window_bounds = array<i64: 4096, 10>}, {transform_indices = @transform_1, window_bounds = array<i64: 4096, 32>}, {transform_indices = @transform_2, window_bounds = array<i64: 4096, 1>}, {pipeline_mode = #tpu.pipeline_mode<synchronous>, transform_indices = @transform_3, window_bounds = array<i64: 10, 32>}, {pipeline_mode = #tpu.pipeline_mode<synchronous>, transform_indices = @transform_4, window_bounds = array<i64: 32, 256>}, {pipeline_mode = #tpu.pipeline_mode<synchronous>, transform_indices = @transform_5, window_bounds = array<i64: 256, 256>}, {pipeline_mode = #tpu.pipeline_mode<synchronous>, transform_indices = @transform_6, window_bounds = array<i64: 16, 256>}, {pipeline_mode = #tpu.pipeline_mode<synchronous>, transform_indices = @transform_7, window_bounds = array<i64: 256, 16>}, {transform_indices = @transform_8, window_bounds = array<i64: 4096, 16>}]} {
    %get3A = arith.constant 0 : index
    %get3A_0 = arith.constant 0 : index
    %get3A_1 = vector.load %arg1[%get3A, %get3A_0] : memref<4096x10xf32, #tpu.memory_space<vmem>>, vector<4096x10xf32>
    %get3A_2 = arith.constant 0 : index
    %get3A_3 = arith.constant 0 : index
    %get3A_4 = vector.load %arg4[%get3A_2, %get3A_3] : memref<10x32xf32, #tpu.memory_space<vmem>>, vector<10x32xf32>
    %dot_general3A = arith.constant dense<0.000000e+00> : vector<4096x32xf32>
    %dot_general3A_5 = tpu.matmul %get3A_1, %get3A_4, %dot_general3A {dimension_numbers = #tpu.dot_dimension_numbers<[1], [0], [0], [1], [0, 0, 1, 1], [], []>, transpose_lhs_hint = false} : vector<4096x10xf32>, vector<10x32xf32>, vector<4096x32xf32> -> vector<4096x32xf32>
    %max3A = arith.constant 0.000000e+00 : f32
    %max3A_6 = vector.broadcast %max3A : f32 to vector<4096x32xf32>
    %max3A_7 = arith.maximumf %dot_general3A_5, %max3A_6 : vector<4096x32xf32>
    %slice3A = vector.extract_strided_slice %max3A_7 {offsets = [0, 0], sizes = [4096, 16], strides = [1, 1]} : vector<4096x32xf32> to vector<4096x16xf32>
    %slice3A_8 = vector.extract_strided_slice %max3A_7 {offsets = [0, 16], sizes = [4096, 16], strides = [1, 1]} : vector<4096x32xf32> to vector<4096x16xf32>
    %get3A_9 = arith.constant 0 : index
    %get3A_10 = arith.constant 0 : index
    %get3A_11 = vector.load %arg2[%get3A_9, %get3A_10] : memref<4096x32xf32, #tpu.memory_space<vmem>>, vector<4096x32xf32>
    %get3A_12 = arith.constant 0 : index
    %get3A_13 = arith.constant 0 : index
    %get3A_14 = vector.load %arg5[%get3A_12, %get3A_13] : memref<32x256xf32, #tpu.memory_space<vmem>>, vector<32x256xf32>
    %dot_general3A_15 = arith.constant dense<0.000000e+00> : vector<4096x256xf32>
    %dot_general3A_16 = tpu.matmul %get3A_11, %get3A_14, %dot_general3A_15 {dimension_numbers = #tpu.dot_dimension_numbers<[1], [0], [0], [1], [0, 0, 1, 1], [], []>, transpose_lhs_hint = false} : vector<4096x32xf32>, vector<32x256xf32>, vector<4096x256xf32> -> vector<4096x256xf32>
    %get3A_17 = arith.constant 0 : index
    %get3A_18 = arith.constant 0 : index
    %get3A_19 = vector.load %arg7[%get3A_17, %get3A_18] : memref<16x256xf32, #tpu.memory_space<vmem>>, vector<16x256xf32>
    %dot_general3A_20 = arith.constant dense<0.000000e+00> : vector<4096x256xf32>
    %dot_general3A_21 = tpu.matmul %slice3A, %get3A_19, %dot_general3A_20 {dimension_numbers = #tpu.dot_dimension_numbers<[1], [0], [0], [1], [0, 0, 1, 1], [], []>, transpose_lhs_hint = false} : vector<4096x16xf32>, vector<16x256xf32>, vector<4096x256xf32> -> vector<4096x256xf32>
    %mul3A = arith.mulf %dot_general3A_21, %dot_general3A_16 : vector<4096x256xf32>
    %get3A_22 = arith.constant 0 : index
    %get3A_23 = arith.constant 0 : index
    %get3A_24 = vector.load %arg6[%get3A_22, %get3A_23] : memref<256x256xf32, #tpu.memory_space<vmem>>, vector<256x256xf32>
    %dot_general3A_25 = arith.constant dense<0.000000e+00> : vector<4096x256xf32>
    %dot_general3A_26 = tpu.matmul %mul3A, %get3A_24, %dot_general3A_25 {dimension_numbers = #tpu.dot_dimension_numbers<[1], [0], [0], [1], [0, 0, 1, 1], [], []>, transpose_lhs_hint = false} : vector<4096x256xf32>, vector<256x256xf32>, vector<4096x256xf32> -> vector<4096x256xf32>
    %get3A_27 = arith.constant 0 : index
    %get3A_28 = arith.constant 0 : index
    %get3A_29 = vector.load %arg7[%get3A_27, %get3A_28] : memref<16x256xf32, #tpu.memory_space<vmem>>, vector<16x256xf32>
    %dot_general3A_30 = arith.constant dense<0.000000e+00> : vector<4096x256xf32>
    %dot_general3A_31 = tpu.matmul %slice3A_8, %get3A_29, %dot_general3A_30 {dimension_numbers = #tpu.dot_dimension_numbers<[1], [0], [0], [1], [0, 0, 1, 1], [], []>, transpose_lhs_hint = false} : vector<4096x16xf32>, vector<16x256xf32>, vector<4096x256xf32> -> vector<4096x256xf32>
    %mul3A_32 = arith.mulf %dot_general3A_31, %dot_general3A_26 : vector<4096x256xf32>
    %get3A_33 = arith.constant 0 : index
    %get3A_34 = arith.constant 0 : index
    %get3A_35 = vector.load %arg8[%get3A_33, %get3A_34] : memref<256x16xf32, #tpu.memory_space<vmem>>, vector<256x16xf32>
    %dot_general3A_36 = arith.constant dense<0.000000e+00> : vector<4096x16xf32>
    %dot_general3A_37 = tpu.matmul %mul3A_32, %get3A_35, %dot_general3A_36 {dimension_numbers = #tpu.dot_dimension_numbers<[1], [0], [0], [1], [0, 0, 1, 1], [], []>, transpose_lhs_hint = false} : vector<4096x256xf32>, vector<256x16xf32>, vector<4096x16xf32> -> vector<4096x16xf32>
    %tanh3A = math.tanh %dot_general3A_37 : vector<4096x16xf32>
    %mul3A_38 = arith.constant 1.59278119 : f32
    %mul3A_39 = vector.broadcast %mul3A_38 : f32 to vector<4096x16xf32>
    %mul3A_40 = arith.mulf %mul3A_39, %tanh3A : vector<4096x16xf32>
    %get3A_41 = arith.constant 0 : index
    %get3A_42 = arith.constant 0 : index
    %get3A_43 = vector.load %arg3[%get3A_41, %get3A_42] : memref<4096x1xf32, #tpu.memory_space<vmem>>, vector<4096x1xf32>
    %mul3A_44 = vector.broadcast %get3A_43 : vector<4096x1xf32> to vector<4096x16xf32>
    %mul3A_45 = arith.mulf %mul3A_40, %mul3A_44 : vector<4096x16xf32>
    %swap3A = arith.constant 0 : index
    %swap3A_46 = arith.constant 0 : index
    %swap3A_47 = vector.load %arg9[%swap3A, %swap3A_46] : memref<4096x16xf32, #tpu.memory_space<vmem>>, vector<4096x16xf32>
    tpu.vector_store %arg9[%swap3A, %swap3A_46], %mul3A_45 {strides = array<i32>} : memref<4096x16xf32, #tpu.memory_space<vmem>>, vector<4096x16xf32>,
    return
  }
  func.func @transform_0(%arg0: i32) -> (i32, i32) {
    %c0_i32 = arith.constant 0 : i32
    %c0_i32_0 = arith.constant 0 : i32
    return %arg0, %c0_i32 : i32, i32
  }
  func.func @transform_1(%arg0: i32) -> (i32, i32) {
    %c0_i32 = arith.constant 0 : i32
    %c0_i32_0 = arith.constant 0 : i32
    return %arg0, %c0_i32 : i32, i32
  }
  func.func @transform_2(%arg0: i32) -> (i32, i32) {
    %c0_i32 = arith.constant 0 : i32
    %c0_i32_0 = arith.constant 0 : i32
    return %arg0, %c0_i32 : i32, i32
  }
  func.func @transform_3(%arg0: i32) -> (i32, i32) {
    %c0_i32 = arith.constant 0 : i32
    %c0_i32_0 = arith.constant 0 : i32
    %c0_i32_1 = arith.constant 0 : i32
    return %c0_i32, %c0_i32_0 : i32, i32
  }
  func.func @transform_4(%arg0: i32) -> (i32, i32) {
    %c0_i32 = arith.constant 0 : i32
    %c0_i32_0 = arith.constant 0 : i32
    %c0_i32_1 = arith.constant 0 : i32
    return %c0_i32, %c0_i32_0 : i32, i32
  }
  func.func @transform_5(%arg0: i32) -> (i32, i32) {
    %c0_i32 = arith.constant 0 : i32
    %c0_i32_0 = arith.constant 0 : i32
    %c0_i32_1 = arith.constant 0 : i32
    return %c0_i32, %c0_i32_0 : i32, i32
  }
  func.func @transform_6(%arg0: i32) -> (i32, i32) {
    %c0_i32 = arith.constant 0 : i32
    %c0_i32_0 = arith.constant 0 : i32
    %c0_i32_1 = arith.constant 0 : i32
    return %c0_i32, %c0_i32_0 : i32, i32
  }
  func.func @transform_7(%arg0: i32) -> (i32, i32) {
    %c0_i32 = arith.constant 0 : i32
    %c0_i32_0 = arith.constant 0 : i32
    %c0_i32_1 = arith.constant 0 : i32
    return %c0_i32, %c0_i32_0 : i32, i32
  }
  func.func @transform_8(%arg0: i32) -> (i32, i32) {
    %c0_i32 = arith.constant 0 : i32
    %c0_i32_0 = arith.constant 0 : i32
    return %arg0, %c0_i32 : i32, i32
  }
}

module attributes {stable_mosaic.version = 14 : i64} {
  func.func @_combine_body(%arg0: memref<2x10240x16xf32, #tpu.memory_space<vmem>>, %arg1: memref<10000x16xf32, #tpu.memory_space<vmem>>) attributes {dimension_semantics = [], scalar_prefetch = 0 : i64, scratch_operands = 0 : i64, tpu.core_type = #tpu.core_type<tc>} {
    %get3A = arith.constant 0 : index
    %get3A_0 = arith.constant 0 : index
    %get3A_1 = arith.constant 0 : index
    %get3A_2 = vector.load %arg0[%get3A, %get3A_0, %get3A_1] : memref<2x10240x16xf32, #tpu.memory_space<vmem>>, vector<1x10000x16xf32>
    %get3A_3 = vector.shape_cast %get3A_2 : vector<1x10000x16xf32> to vector<10000x16xf32>
    %get3A_4 = arith.constant 1 : index
    %get3A_5 = arith.constant 0 : index
    %get3A_6 = arith.constant 0 : index
    %get3A_7 = vector.load %arg0[%get3A_4, %get3A_5, %get3A_6] : memref<2x10240x16xf32, #tpu.memory_space<vmem>>, vector<1x10000x16xf32>
    %get3A_8 = vector.shape_cast %get3A_7 : vector<1x10000x16xf32> to vector<10000x16xf32>
    %add3A = arith.addf %get3A_3, %get3A_8 : vector<10000x16xf32>
    %swap3A = arith.constant 0 : index
    %swap3A_9 = arith.constant 0 : index
    %swap3A_10 = vector.load %arg1[%swap3A, %swap3A_9] : memref<10000x16xf32, #tpu.memory_space<vmem>>, vector<10000x16xf32>
    tpu.vector_store %arg1[%swap3A, %swap3A_9], %add3A {strides = array<i32>} : memref<10000x16xf32, #tpu.memory_space<vmem>>, vector<10000x16xf32>,
    return
  }
}

</mosaic_0001>

<sc_bundles>
// kernel: kernel.6.cloned.1.call-start
scs
__scs_entry_jumppad:
0x0: {  	(pc) =	sbr.rel $0x88, $3  }
0x1: {  	(tag) =	ssettag $0x0;
	lr =	simm.s32 $0x1  }
0x2: {  	[smem:$0x3F99] =	sst lr;
	_ =	strace $0xD0000000  }
0x3: {  	_ = 	snop  }
0x4: {  	_ = 	snop  }
0x5: {  	_ = 	snop  }
0x6: {  	_ = 	snop  }
0x7: {  	_ = 	snop  }
__scs_overlays_trampoline_lowered:
0x8: {  	[smem:$0x3FA8] =	sst s0  }
0x9: {  	[smem:$0x3FA9] =	sst s1  }
0xa: {  	[smem:$0x3FAA] =	sst s2  }
0xb: {  	[smem:$0x3FAB] =	sst s3  }
0xc: {  	[smem:$0x3FAC] =	sst s4  }
0xd: {  	[smem:$0x3FAD] =	sst s5  }
0xe: {  	[smem:$0x3FAE] =	sst s6  }
0xf: {  	[smem:$0x3FAF] =	sst s7  }
0x10: {  	[smem:$0x3FB0] =	sst s8  }
0x11: {  	[smem:$0x3FB1] =	sst s9;
	s0 =	simm.s32 @!p0 $0x0  }
0x12: {  	s1 =	sld [smem:$0x3F97];
	s0 =	simm.s32 @p0 $0x1  }
0x13: {  	[smem:$0x3FB2] =	sst s0;
	s0 =	simm.s32 @!p1 $0x0  }
0x14: {  	s2 =	sld [smem:$0x3F96];
	s0 =	simm.s32 @p1 $0x1  }
0x15: {  	[smem:$0x3FB3] =	sst s0;
	s0 =	simm.s32 @!p2 $0x0  }
0x16: {  	s3 =	sld [smem:$0x3FDB];
	s0 =	simm.s32 @p2 $0x1  }
0x17: {  	s4 =	simm.s32 $0x1BF5;
	[smem:$0x3FB5] =	sst s0  }
0x18: {  	s0 =	sld [smem:$0x3F98];
	_ =	swait.ge [sflag:s4], $0x0  }
0x19: {  	s7 =	sld [smem:$0x3F99]  }
0x1a: {  	s8 =	sadd.s32 $0xFFFFE003, lr  }
0x1b: {  	s9 =	sadd.s32 $0xFFFFFEF7, lr;
	s5 =	simm.s32 $0xFFFFFFFF;
	p2 =	slt.u32 s8, $0xFFFFF086  }
0x1c: {  	p1 =	slt.u32 s9, $0xF7A;
	s5 =	simm.s32 @!p2 $0x0  }
0x1d: {  	s5 =	simm.s32 @p1 $0x1;
	p0 =	seq.s32 s7, s2  }
0x1e: {  	s7 =	smul.u32 @!p0 $0xF7A, s2;
	p2 =	seq.s32 @!p0 s5, $0x0  }
0x1f: {  	s9 =	smul.u32 $0xF7A, s1;
	s8 =	simm.s32 @!p0 $0x1BF5;
	p2 =	por !p2, p0  }
0x20: {  	[sflag:s8] =	ssyncset.s32 @!p0 $0xFFFFF086;
	s6 =	sadd.s32 @!p0 s3, s7;
	s7 =	simm.s32 @!p0 $0x108  }
0x21: {  	s3 =	sadd.s32 s3, s9;
	s6 =	sadd.s32 @!p0 $0x88, s6;
	s7 =	simm.s32 @p2 $0x1082  }
0x22: {  	[simem:s7], [sflag:s8] =	dma.local @!p0 [hbm:s6], $0xF7A  }
0x23: {  	s9 =	sor.u32 $0xD0000000, s2;
	s6 =	simm.s32 $0x108;
	_ =	swait.ge @!p0 [sflag:s8], $0x0  }
0x24: {  	s3 =	sadd.s32 $0x88, s3;
	s6 =	simm.s32 @!p1 $0x1082;
	[sflag:s4] =	ssyncset.s32 $0xFFFFF086  }
0x25: {  	[simem:s6], [sflag:s4] =	dma.local [hbm:s3], $0xF7A  }
0x26: {  	[smem:$0x3F99] =	sst s1;
	(tag) =	ssettag s2;
	_ =	strace s9  }
0x27: {  	s1 =	sld [smem:$0x3FA9]  }
0x28: {  	s2 =	sld [smem:$0x3FAA]  }
0x29: {  	s4 =	sld [smem:$0x3FAC]  }
0x2a: {  	p0 =	seq.s32 s5, $0x0;
	s5 =	sld [smem:$0x3FAD]  }
0x2b: {  	s6 =	sld [smem:$0x3FAE]  }
0x2c: {  	s7 =	sld [smem:$0x3FAF]  }
0x2d: {  	s3 =	simm.s32 $0x108;
	s8 =	sld [smem:$0x3FB0]  }
0x2e: {  	s3 =	simm.s32 @!p0 $0x1082;
	s9 =	sld [smem:$0x3FB1]  }
0x2f: {  	lr =	sadd.s32 s0, s3;
	s0 =	sld [smem:$0x3FA8]  }
0x30: {  	s3 =	sld [smem:$0x3FAB]  }
0x31: {  	[smem:$0x3FB4] =	sst s10  }
0x32: {  	s10 =	sld [smem:$0x3FB2];
	_ =	sdelay $0x3  }
0x33: {  	p0 =	seq.s32 s10, $0x1;
	s10 =	sld [smem:$0x3FB4];
	_ =	sdelay $0x3  }
0x34: {  	[smem:$0x3FB4] =	sst s10  }
0x35: {  	s10 =	sld [smem:$0x3FB3];
	_ =	sdelay $0x3  }
0x36: {  	p1 =	seq.s32 s10, $0x1;
	s10 =	sld [smem:$0x3FB4];
	_ =	sdelay $0x3  }
0x37: {  	[smem:$0x3FB4] =	sst s10  }
0x38: {  	s10 =	sld [smem:$0x3FB5]  }
0x39: {  	_ = 	snop;
	(pc) =	sbr.ind lr, $3  }
0x3a: {  	_ = 	snop  }
0x3b: {  	_ = 	snop  }
0x3c: {  	p2 =	seq.s32 s10, $0x1;
	s10 =	sld [smem:$0x3FB4]  }
0x3d: {  	_ =	shalt  }
0x3e: {  	_ =	shalt  }
0x3f: {  	_ =	shalt  }
0x40: {  	_ =	shalt  }
0x41: {  	_ =	shalt  }
0x42: {  	_ =	shalt  }
0x43: {  	_ =	shalt  }
0x44: {  	_ =	shalt  }
0x45: {  	_ =	shalt  }
0x46: {  	_ =	shalt  }
0x47: {  	_ =	shalt  }
0x48: {  	_ =	shalt  }
0x49: {  	_ =	shalt  }
0x4a: {  	_ =	shalt  }
0x4b: {  	_ =	shalt  }
0x4c: {  	_ =	shalt  }
0x4d: {  	_ =	shalt  }
0x4e: {  	_ =	shalt  }
0x4f: {  	_ =	shalt  }
0x50: {  	_ =	shalt  }
0x51: {  	_ =	shalt  }
0x52: {  	_ =	shalt  }
0x53: {  	_ =	shalt  }
0x54: {  	_ =	shalt  }
0x55: {  	_ =	shalt  }
0x56: {  	_ =	shalt  }
0x57: {  	_ =	shalt  }
0x58: {  	_ =	shalt  }
0x59: {  	_ =	shalt  }
0x5a: {  	_ =	shalt  }
0x5b: {  	_ =	shalt  }
0x5c: {  	_ =	shalt  }
0x5d: {  	_ =	shalt  }
0x5e: {  	_ =	shalt  }
0x5f: {  	_ =	shalt  }
0x60: {  	_ =	shalt  }
0x61: {  	_ =	shalt  }
0x62: {  	_ =	shalt  }
0x63: {  	_ =	shalt  }
0x64: {  	_ =	shalt  }
0x65: {  	_ =	shalt  }
0x66: {  	_ =	shalt  }
0x67: {  	_ =	shalt  }
0x68: {  	_ =	shalt  }
0x69: {  	_ =	shalt  }
0x6a: {  	_ =	shalt  }
0x6b: {  	_ =	shalt  }
0x6c: {  	_ =	shalt  }
0x6d: {  	_ =	shalt  }
0x6e: {  	_ =	shalt  }
0x6f: {  	_ =	shalt  }
0x70: {  	_ =	shalt  }
0x71: {  	_ =	shalt  }
0x72: {  	_ =	shalt  }
0x73: {  	_ =	shalt  }
0x74: {  	_ =	shalt  }
0x75: {  	_ =	shalt  }
0x76: {  	_ =	shalt  }
0x77: {  	_ =	shalt  }
0x78: {  	_ =	shalt  }
0x79: {  	_ =	shalt  }
0x7a: {  	_ =	shalt  }
0x7b: {  	_ =	shalt  }
0x7c: {  	_ =	shalt  }
0x7d: {  	_ =	shalt  }
0x7e: {  	_ =	shalt  }
0x7f: {  	_ =	shalt  }
0x80: {  	_ =	shalt  }
0x81: {  	_ =	shalt  }
0x82: {  	_ =	shalt  }
0x83: {  	_ =	shalt  }
0x84: {  	_ =	shalt  }
0x85: {  	_ =	shalt  }
0x86: {  	_ =	shalt  }
0x87: {  	_ =	shalt  }
.Lfunc_end0:
.L_simem_size_0:
called_computation_lowered:
.L_overlay_start_0:
0x88: {  	s2 =	sld [smem:$0x3FD9]  }
0x89: {  	s3 =	sld [smem:$0x3FFE];
	_ =	sdelay $0x1  }
0x8a: {  	s1 =	srdreg.scid  }
0x8b: {  	s0 =	sand.u32 $0x1, s1  }
0x8c: {  	s17 =	sshll.u32 s0, $0xA;
	s2 =	sadd.s32 s3, s2  }
0x8d: {  	s2 =	sadd.s32 s2, s17  }
0x8e: {  	[smem:$0x3FC0] =	sst s2  }
0x8f: {  	_ = 	snop  }
0x90: {  	s2 =	sld [smem:$0x3FD0];
	(tm) =	ssettm $0x1  }
0x91: {  	s18 =	sld [smem:$0x3FFB];
	_ =	sdelay $0x3  }
0x92: {  	_ =	strace s18  }
0x93: {  	s3 =	sld [smem:$0x3FFC];
	_ =	sdelay $0x3  }
0x94: {  	_ =	strace s3  }
0x95: {  	s3 =	sld [smem:$0x3FFD];
	_ =	sdelay $0x3  }
0x96: {  	_ =	strace s3  }
0x97: {  	_ =	strace $0x8FFFFFFF  }
0x98: {  	s19 =	sld [smem:$0x3FDB];
	_ =	sdelay $0x1  }
0x99: {  	s4 =	simm.s32 $_scs_section_size  }
0x9a: {  	s5 =	simm.s32 $_size__tile_overlayer_lowered;
	s6 =	simm.s32 $_tile_overlayer_lowered  }
0x9b: {  	s22 =	simm.s32 $0x1BFF;
	s21 =	sshll.u32 s6, $0x1;
	s3 =	sadd.s32 s4, s19  }
0x9c: {  	s7 =	simm.s32 $0x0;
	s20 =	sshll.u32 s5, $0x1;
	s5 =	sadd.s32 s21, s3  }
0x9d: {  	[timem:s7], [sflag:s22] =	dma.local [hbm:s5], s20  }
0x9e: {  	_ =	swait.ge [sflag:s22], s20  }
0x9f: {  	s4 =	ssub.s32 $0x0, s20;
	[sflag:s22] =	ssyncset.done $0x0  }
0xa0: {  	[sflag:s22] =	ssyncadd.s32 s4;
	_ =	sdelay $0x1  }
0xa1: {  	s23 =	simm.s32 $0x1B8B  }
0xa2: {  	_ =	swait.ge [sflag:s23], $0x1  }
0xa3: {  	[sflag:s23] =	ssyncset.done $0x0  }
0xa4: {  	s25 =	simm.s32 $0x1B8E;
	s24 =	sld [smem:$0x3FFE];
	[sflag:s23] =	ssyncadd.s32 $0xFFFFFFFF  }
0xa5: {  	s26 =	simm.s32 $execute0_lowered;
	[smem:$0x3FD2] =	sst s25  }
0xa6: {  	s5 =	sshll.u32 s26, $0x1;
	_ =	strace $0x80000046;
	[dreg:$0x1] =	wrdreg $0xFFFFFFFF  }
0xa7: {  	s28 =	simm.s32 $_size_execute0_lowered;
	s3 =	sadd.s32 s3, s5;
	[dreg:$0x0] =	wrdreg $0x0  }
0xa8: {  	s5 =	sshll.u32 s28, $0x1;
	[dreg:$0x2] =	wrdreg s3  }
0xa9: {  	[dreg:$0x3] =	wrdreg s5  }
0xaa: {  	[dreg:$0x4] =	wrdreg $0xC0  }
0xab: {  	_ =	task [dreg:s7], $0x5FFFF  }
0xac: {  	[dreg:$0x1] =	wrdreg $0xFFFFFFFF  }
0xad: {  	[dreg:$0x0] =	wrdreg $0x60  }
0xae: {  	[dreg:$0x2] =	wrdreg s2  }
0xaf: {  	[dreg:$0x3] =	wrdreg s24  }
0xb0: {  	[dreg:$0x4] =	wrdreg $0x9  }
0xb1: {  	_ =	task.clear_ibuf [dreg:s7], $0x5FFFF;
	_ =	strace $0x90000046  }
0xb2: {  	s29 =	simm.s32 $0x9;
	_ =	strace $0x80000048  }
0xb3: {  	_ =	swait.ge [sflag:s29], $0x1  }
0xb4: {  	[sflag:s29] =	ssyncadd.s32 $0xFFFFFFFF  }
0xb5: {  	_ =	strace $0x90000048  }
0xb6: {  	_ =	sfence  }
0xb7: {  	s30 =	sld [smem:$0x0];
	_ =	sdelay $0x2  }
0xb8: {  	s31 =	sshll.u32 s1, $0xD;
	s1 =	sshrl.u32 s1, $0x2  }
0xb9: {  	s3 =	sand.u32 $0x4000, s31;
	s1 =	sadd.s32 s1, s30  }
0xba: {  	s0 =	sor.u32 s3, s0;
	s1 =	sshll.u32 s1, $0x11  }
0xbb: {  	s0 =	sor.u32 s1, s0  }
0xbc: {  	s0 =	sadd.s32 $0x8F2B, s0  }
0xbd: {  	[sflag:s0] =	ssyncadd.remote.s32 $0x1  }
0xbe: {  	_ =	sfence.sel $0xFFFF  }
0xbf: {  	[dreg:$0x0] =	wrdreg $0xFFFFFFFF;
	(pc) =	sbr.abs _section_cstart, $3  }
0xc0: {  	[dreg:$0x1] =	wrdreg $0xFFFFFFFF  }
0xc1: {  	_ =	task.clear_ibuf [dreg:s7], $0x2FFFF;
	_ =	strace $0x9FFFFFFF  }
0xc2: {  	(tm) =	ssettm $0x7FFFFFFF  }
0xc3: {  	_ =	shalt  }
tec
execute0_lowered:
.L_overlay_start_1:
0x0: {  	(tag) =	ssettag $0x1  }
0x1: {  	s1 =	srdreg.scid;
	s0 =	stileid.u32  }
0x2: {  	s3 =	sand.u32 $0x1, s1;
	s5 =	sshll.u32 s0, $0x1  }
0x3: {  	s5 =	sor.u32 s3, s5  }
0x4: {  	p0 =	sgt.u32 s5, $0x18  }
.Ltmp0:
0x5: {  	_ = 	snop;
	(pc) =	sbr.rel @p0 .LBB2_7-.Ltmp0, $4  }
0x6: {  	s7 =	rddreg [dreg:$0x0]  }
0x7: {  	s4 =	rddreg [dreg:$0x1];
	s2 =	simm.s32 $0x0  }
0x8: {  	[smem:$0x7FF] =	sst s2  }
0x9: {  	s1 =	rddreg [dreg:$0x2];
	_ =	strace $0x80000047  }
0xa: {  	s8 =	smul.u32 $0x320, s5  }
0xb: {  	s31 =	smul.u32 $0x6400, s5;
	s9 =	ssub.s32 $0x2, s3;
	s3 =	sadd.s32 $0x6800, s4  }
0xc: {  	s12 =	simm.s32 $0x10;
	s13 =	simm.s32 $0x20;
	s14 =	simm.s32 $0x1900  }
0xd: {  	s11 =	sshrl.u32 s9, $0x1;
	s6 =	sadd.s32 s8, s4;
	s10 =	sadd.s32 s31, s4  }
0xe: {  	s9 =	ssub.s32 s9, s11;
	s7 =	sadd.s32 s7, s8;
	s11 =	simm.s32 $0x1  }
0xf: {  	s4 =	sadd.s32 $0xB800, s10;
	s5 =	sadd.s32 $0x1800, s6;
	s6 =	sadd.s32 $0xB802, s10  }
0x10: {  	s8 =	smax.u32 s9, $0x1;
	s9 =	simm.s32 $0x2;
	s10 =	simm.s32 $0x80  }
.LBB2_2:
0x11: {  	s15 =	simm.s32 $0x0  }
0x12: {  	[tilespmem:s15], [sflag:$0x2] =	stream.linear.gather [hbm4b:s7+s15], $0x1900, $0x38;
	[tilespmem:$0x1A900] =	vst v63  }
0x13: {  	_ =	swait.ge [sflag:s9], $0x1900  }
0x14: {  	s18 =	simm.s32 $0x0;
	s16 =	simm.s32 $0x2100;
	[sflag:s9] =	ssyncset.done $0x0  }
0x15: {  	s17 =	simm.s32 $0x1900;
	s15 =	simm.s32 $0x200;
	[sflag:s9] =	ssyncadd.s32 $0xFFFFE700  }
.LBB2_3:
0x16: {  	[tilespmem:s17], [sflag:$0x1] =	stream.indirect.gather [hbm4b:s3+s10], $0x10, s18, s10, $0xb8;
	[tilespmem:$0x1A900] =	vst v63  }
0x17: {  	s18 =	smov.u32 s15;
	s17 =	smov.u32 s16;
	p0 =	sne.s32 s15, $0x6200  }
.Ltmp1:
0x18: {  	s15 =	sadd.s32 $0x200, s15;
	(pc) =	sbr.rel @p0 .LBB2_3-.Ltmp1, $2  }
0x19: {  	_ =	sdelay $0x2  }
0x1a: {  	s16 =	sadd.s32 $0x800, s16;
	s18 =	sshra.s32 s18, $0x2  }
0x1b: {  	[tilespmem:s17], [sflag:$0x1] =	stream.indirect.gather [hbm4b:s3+s10], $0x10, s18, s10, $0xb8;
	[tilespmem:$0x1A900] =	vst v63  }
0x1c: {  	_ =	swait.ge [sflag:s11], $0x19000  }
0x1d: {  	[sflag:s11] =	ssyncset.done $0x0  }
0x1e: {  	s15 =	simm.s32 $0x1900;
	[sflag:s11] =	ssyncadd.s32 $0xFFFE7000  }
0x1f: {  	[hbm4b:s4+s12] =	stream.strided.scatter [tilespmem:s15], [sflag:$0x2], $0x19000, s13, s12, $0x38;
	[tilespmem:$0x1A900] =	vst v63  }
0x20: {  	_ =	swait.ge [sflag:s9], $0x19000  }
0x21: {  	[sflag:s9] =	ssyncset.done $0x0  }
0x22: {  	s16 =	simm.s32 $0x0;
	[sflag:s9] =	ssyncadd.s32 $0xFFFE7000  }
0x23: {  	[tilespmem:s16], [sflag:$0x2] =	stream.linear.gather [hbm4b:s5+s16], $0x1900, $0x38;
	[tilespmem:$0x1A900] =	vst v63  }
0x24: {  	_ =	swait.ge [sflag:s9], $0x1900  }
0x25: {  	s18 =	simm.s32 $0x0;
	[sflag:s9] =	ssyncset.done $0x0  }
0x26: {  	s17 =	simm.s32 $0x2100;
	s16 =	simm.s32 $0x200;
	[sflag:s9] =	ssyncadd.s32 $0xFFFFE700  }
.LBB2_5:
0x27: {  	[tilespmem:s15], [sflag:$0x1] =	stream.indirect.gather [hbm4b:s3+s10], $0x10, s18, s10, $0xb8;
	[tilespmem:$0x1A900] =	vst v63  }
0x28: {  	s18 =	smov.u32 s16;
	s15 =	smov.u32 s17;
	p0 =	sne.s32 s16, $0x6200  }
.Ltmp2:
0x29: {  	s16 =	sadd.s32 $0x200, s16;
	(pc) =	sbr.rel @p0 .LBB2_5-.Ltmp2, $2  }
0x2a: {  	_ =	sdelay $0x2  }
0x2b: {  	s17 =	sadd.s32 $0x800, s17;
	s18 =	sshra.s32 s18, $0x2  }
0x2c: {  	[tilespmem:s15], [sflag:$0x1] =	stream.indirect.gather [hbm4b:s3+s10], $0x10, s18, s10, $0xb8;
	[tilespmem:$0x1A900] =	vst v63  }
0x2d: {  	s2 =	sadd.s32 $0x1, s2;
	_ =	swait.ge [sflag:s11], $0x19000  }
0x2e: {  	p0 =	sne.s32 s2, s8;
	[sflag:s11] =	ssyncset.done $0x0  }
.Ltmp3:
0x2f: {  	[sflag:s11] =	ssyncadd.s32 $0xFFFE7000;
	(pc) =	sbr.rel @p0 .LBB2_2-.Ltmp3, $4  }
0x30: {  	[hbm4b:s6+s12] =	stream.strided.scatter [tilespmem:s14], [sflag:$0x2], $0x19000, s13, s12, $0x38;
	[tilespmem:$0x1A900] =	vst v63  }
0x31: {  	_ =	swait.ge [sflag:s9], $0x19000  }
0x32: {  	[sflag:s9] =	ssyncset.done $0x0  }
0x33: {  	[sflag:s9] =	ssyncadd.s32 $0xFFFE7000  }
.LBB2_7:
0x34: {  	_ =	sfence.sel $0x180000  }
0x35: {  	[bflag:$0x0] =	sbarrier.arrive $0xFFFF  }
0x36: {  	p0 =	sne.s32 s0, $0x0;
	_ =	strace $0x90000047  }
0x37: {  	s0 =	sadd.s32 @!p0 $0x100000, s1;
	[bflag:$0x2] =	sbarrier.arrive $0xFFFF  }
0x38: {  	[sflag:s0] =	ssyncadd.tile.s32 @!p0 $0x1;
	_ =	shalt  }
.Lfunc_end2:
_tile_overlayer_lowered:
.L_overlay_start_2:
0x39: {  	(tag) =	ssettag $0x2  }
0x3a: {  	s0 =	rddreg [dreg:$0x0];
	s2 =	stileid.u32  }
0x3b: {  	s1 =	rddreg [dreg:$0x1];
	p0 =	sne.s32 s2, $0x0  }
0x3c: {  	s3 =	rddreg [dreg:$0x2];
	[bflag:$0x3] =	sbarrier.arrive $0xFFFF;
	s2 =	simm.s32 @!p0 $0x1C02  }
0x3d: {  	[timem:s3], [sflag:s2] =	dma.local @!p0 [hbm:s0], s1  }
0x3e: {  	s0 =	simm.s32 @!p0 $0x2  }
0x3f: {  	_ =	swait.ge @!p0 [sflag:s0], s1  }
0x40: {  	s1 =	ssub.s32 @!p0 $0x0, s1;
	[sflag:s0] =	ssyncset.done @!p0 $0x0  }
0x41: {  	[sflag:s0] =	ssyncadd.s32 @!p0 s1  }
0x42: {  	[bflag:$0x3] =	sbarrier.arrive $0xFFFF  }
0x43: {  	_ =	shalt  }

// kernel: kernel.9.cloned.1.call-start
scs
__scs_entry_jumppad:
0x0: {  	(pc) =	sbr.rel $0x88, $3  }
0x1: {  	(tag) =	ssettag $0x0;
	lr =	simm.s32 $0x1  }
0x2: {  	[smem:$0x3F99] =	sst lr;
	_ =	strace $0xD0000000  }
0x3: {  	_ = 	snop  }
0x4: {  	_ = 	snop  }
0x5: {  	_ = 	snop  }
0x6: {  	_ = 	snop  }
0x7: {  	_ = 	snop  }
__scs_overlays_trampoline_lowered:
0x8: {  	[smem:$0x3FA8] =	sst s0  }
0x9: {  	[smem:$0x3FA9] =	sst s1  }
0xa: {  	[smem:$0x3FAA] =	sst s2  }
0xb: {  	[smem:$0x3FAB] =	sst s3  }
0xc: {  	[smem:$0x3FAC] =	sst s4  }
0xd: {  	[smem:$0x3FAD] =	sst s5  }
0xe: {  	[smem:$0x3FAE] =	sst s6  }
0xf: {  	[smem:$0x3FAF] =	sst s7  }
0x10: {  	[smem:$0x3FB0] =	sst s8  }
0x11: {  	[smem:$0x3FB1] =	sst s9;
	s0 =	simm.s32 @!p0 $0x0  }
0x12: {  	s1 =	sld [smem:$0x3F97];
	s0 =	simm.s32 @p0 $0x1  }
0x13: {  	[smem:$0x3FB2] =	sst s0;
	s0 =	simm.s32 @!p1 $0x0  }
0x14: {  	s2 =	sld [smem:$0x3F96];
	s0 =	simm.s32 @p1 $0x1  }
0x15: {  	[smem:$0x3FB3] =	sst s0;
	s0 =	simm.s32 @!p2 $0x0  }
0x16: {  	s3 =	sld [smem:$0x3FDB];
	s0 =	simm.s32 @p2 $0x1  }
0x17: {  	s4 =	simm.s32 $0x1BF5;
	[smem:$0x3FB5] =	sst s0  }
0x18: {  	s0 =	sld [smem:$0x3F98];
	_ =	swait.ge [sflag:s4], $0x0  }
0x19: {  	s7 =	sld [smem:$0x3F99]  }
0x1a: {  	s8 =	sadd.s32 $0xFFFFE003, lr  }
0x1b: {  	s9 =	sadd.s32 $0xFFFFFEF7, lr;
	s5 =	simm.s32 $0xFFFFFFFF;
	p2 =	slt.u32 s8, $0xFFFFF086  }
0x1c: {  	p1 =	slt.u32 s9, $0xF7A;
	s5 =	simm.s32 @!p2 $0x0  }
0x1d: {  	s5 =	simm.s32 @p1 $0x1;
	p0 =	seq.s32 s7, s2  }
0x1e: {  	s7 =	smul.u32 @!p0 $0xF7A, s2;
	p2 =	seq.s32 @!p0 s5, $0x0  }
0x1f: {  	s9 =	smul.u32 $0xF7A, s1;
	s8 =	simm.s32 @!p0 $0x1BF5;
	p2 =	por !p2, p0  }
0x20: {  	[sflag:s8] =	ssyncset.s32 @!p0 $0xFFFFF086;
	s6 =	sadd.s32 @!p0 s3, s7;
	s7 =	simm.s32 @!p0 $0x108  }
0x21: {  	s3 =	sadd.s32 s3, s9;
	s6 =	sadd.s32 @!p0 $0x88, s6;
	s7 =	simm.s32 @p2 $0x1082  }
0x22: {  	[simem:s7], [sflag:s8] =	dma.local @!p0 [hbm:s6], $0xF7A  }
0x23: {  	s9 =	sor.u32 $0xD0000000, s2;
	s6 =	simm.s32 $0x108;
	_ =	swait.ge @!p0 [sflag:s8], $0x0  }
0x24: {  	s3 =	sadd.s32 $0x88, s3;
	s6 =	simm.s32 @!p1 $0x1082;
	[sflag:s4] =	ssyncset.s32 $0xFFFFF086  }
0x25: {  	[simem:s6], [sflag:s4] =	dma.local [hbm:s3], $0xF7A  }
0x26: {  	[smem:$0x3F99] =	sst s1;
	(tag) =	ssettag s2;
	_ =	strace s9  }
0x27: {  	s1 =	sld [smem:$0x3FA9]  }
0x28: {  	s2 =	sld [smem:$0x3FAA]  }
0x29: {  	s4 =	sld [smem:$0x3FAC]  }
0x2a: {  	p0 =	seq.s32 s5, $0x0;
	s5 =	sld [smem:$0x3FAD]  }
0x2b: {  	s6 =	sld [smem:$0x3FAE]  }
0x2c: {  	s7 =	sld [smem:$0x3FAF]  }
0x2d: {  	s3 =	simm.s32 $0x108;
	s8 =	sld [smem:$0x3FB0]  }
0x2e: {  	s3 =	simm.s32 @!p0 $0x1082;
	s9 =	sld [smem:$0x3FB1]  }
0x2f: {  	lr =	sadd.s32 s0, s3;
	s0 =	sld [smem:$0x3FA8]  }
0x30: {  	s3 =	sld [smem:$0x3FAB]  }
0x31: {  	[smem:$0x3FB4] =	sst s10  }
0x32: {  	s10 =	sld [smem:$0x3FB2];
	_ =	sdelay $0x3  }
0x33: {  	p0 =	seq.s32 s10, $0x1;
	s10 =	sld [smem:$0x3FB4];
	_ =	sdelay $0x3  }
0x34: {  	[smem:$0x3FB4] =	sst s10  }
0x35: {  	s10 =	sld [smem:$0x3FB3];
	_ =	sdelay $0x3  }
0x36: {  	p1 =	seq.s32 s10, $0x1;
	s10 =	sld [smem:$0x3FB4];
	_ =	sdelay $0x3  }
0x37: {  	[smem:$0x3FB4] =	sst s10  }
0x38: {  	s10 =	sld [smem:$0x3FB5]  }
0x39: {  	_ = 	snop;
	(pc) =	sbr.ind lr, $3  }
0x3a: {  	_ = 	snop  }
0x3b: {  	_ = 	snop  }
0x3c: {  	p2 =	seq.s32 s10, $0x1;
	s10 =	sld [smem:$0x3FB4]  }
0x3d: {  	_ =	shalt  }
0x3e: {  	_ =	shalt  }
0x3f: {  	_ =	shalt  }
0x40: {  	_ =	shalt  }
0x41: {  	_ =	shalt  }
0x42: {  	_ =	shalt  }
0x43: {  	_ =	shalt  }
0x44: {  	_ =	shalt  }
0x45: {  	_ =	shalt  }
0x46: {  	_ =	shalt  }
0x47: {  	_ =	shalt  }
0x48: {  	_ =	shalt  }
0x49: {  	_ =	shalt  }
0x4a: {  	_ =	shalt  }
0x4b: {  	_ =	shalt  }
0x4c: {  	_ =	shalt  }
0x4d: {  	_ =	shalt  }
0x4e: {  	_ =	shalt  }
0x4f: {  	_ =	shalt  }
0x50: {  	_ =	shalt  }
0x51: {  	_ =	shalt  }
0x52: {  	_ =	shalt  }
0x53: {  	_ =	shalt  }
0x54: {  	_ =	shalt  }
0x55: {  	_ =	shalt  }
0x56: {  	_ =	shalt  }
0x57: {  	_ =	shalt  }
0x58: {  	_ =	shalt  }
0x59: {  	_ =	shalt  }
0x5a: {  	_ =	shalt  }
0x5b: {  	_ =	shalt  }
0x5c: {  	_ =	shalt  }
0x5d: {  	_ =	shalt  }
0x5e: {  	_ =	shalt  }
0x5f: {  	_ =	shalt  }
0x60: {  	_ =	shalt  }
0x61: {  	_ =	shalt  }
0x62: {  	_ =	shalt  }
0x63: {  	_ =	shalt  }
0x64: {  	_ =	shalt  }
0x65: {  	_ =	shalt  }
0x66: {  	_ =	shalt  }
0x67: {  	_ =	shalt  }
0x68: {  	_ =	shalt  }
0x69: {  	_ =	shalt  }
0x6a: {  	_ =	shalt  }
0x6b: {  	_ =	shalt  }
0x6c: {  	_ =	shalt  }
0x6d: {  	_ =	shalt  }
0x6e: {  	_ =	shalt  }
0x6f: {  	_ =	shalt  }
0x70: {  	_ =	shalt  }
0x71: {  	_ =	shalt  }
0x72: {  	_ =	shalt  }
0x73: {  	_ =	shalt  }
0x74: {  	_ =	shalt  }
0x75: {  	_ =	shalt  }
0x76: {  	_ =	shalt  }
0x77: {  	_ =	shalt  }
0x78: {  	_ =	shalt  }
0x79: {  	_ =	shalt  }
0x7a: {  	_ =	shalt  }
0x7b: {  	_ =	shalt  }
0x7c: {  	_ =	shalt  }
0x7d: {  	_ =	shalt  }
0x7e: {  	_ =	shalt  }
0x7f: {  	_ =	shalt  }
0x80: {  	_ =	shalt  }
0x81: {  	_ =	shalt  }
0x82: {  	_ =	shalt  }
0x83: {  	_ =	shalt  }
0x84: {  	_ =	shalt  }
0x85: {  	_ =	shalt  }
0x86: {  	_ =	shalt  }
0x87: {  	_ =	shalt  }
.Lfunc_end0:
.L_simem_size_0:
called_computation.1_lowered:
.L_overlay_start_0:
0x88: {  	s2 =	sld [smem:$0x3FD9]  }
0x89: {  	s3 =	sld [smem:$0x3FFE];
	_ =	sdelay $0x1  }
0x8a: {  	s1 =	srdreg.scid  }
0x8b: {  	s0 =	sand.u32 $0x1, s1  }
0x8c: {  	s16 =	sshll.u32 s0, $0xA;
	s2 =	sadd.s32 s3, s2  }
0x8d: {  	s2 =	sadd.s32 s2, s16  }
0x8e: {  	[smem:$0x3FC0] =	sst s2  }
0x8f: {  	_ = 	snop  }
0x90: {  	(tm) =	ssettm $0x1  }
0x91: {  	s17 =	sld [smem:$0x3FFB];
	_ =	sdelay $0x3  }
0x92: {  	_ =	strace s17  }
0x93: {  	s2 =	sld [smem:$0x3FFC];
	_ =	sdelay $0x3  }
0x94: {  	_ =	strace s2  }
0x95: {  	s2 =	sld [smem:$0x3FFD];
	_ =	sdelay $0x3  }
0x96: {  	_ =	strace s2  }
0x97: {  	_ =	strace $0x8FFFFFFF  }
0x98: {  	s18 =	sld [smem:$0x3FDB];
	_ =	sdelay $0x1  }
0x99: {  	s19 =	simm.s32 $_scs_section_size  }
0x9a: {  	s4 =	simm.s32 $_size__tile_overlayer_lowered;
	s5 =	simm.s32 $_tile_overlayer_lowered  }
0x9b: {  	s22 =	simm.s32 $0x1BFF;
	s21 =	sshll.u32 s5, $0x1;
	s2 =	sadd.s32 s19, s18  }
0x9c: {  	s6 =	simm.s32 $0x0;
	s20 =	sshll.u32 s4, $0x1;
	s4 =	sadd.s32 s21, s2  }
0x9d: {  	[timem:s6], [sflag:s22] =	dma.local [hbm:s4], s20  }
0x9e: {  	_ =	swait.ge [sflag:s22], s20  }
0x9f: {  	s3 =	ssub.s32 $0x0, s20;
	[sflag:s22] =	ssyncset.done $0x0  }
0xa0: {  	[sflag:s22] =	ssyncadd.s32 s3;
	_ =	sdelay $0x1  }
0xa1: {  	s23 =	simm.s32 $0x1B8B  }
0xa2: {  	_ =	swait.ge [sflag:s23], $0x1  }
0xa3: {  	[sflag:s23] =	ssyncset.done $0x0  }
0xa4: {  	s25 =	simm.s32 $0x1B8E;
	s24 =	sld [smem:$0x3FFE];
	[sflag:s23] =	ssyncadd.s32 $0xFFFFFFFF  }
0xa5: {  	s26 =	simm.s32 $execute0_lowered;
	[smem:$0x3FD2] =	sst s25  }
0xa6: {  	s4 =	sshll.u32 s26, $0x1;
	_ =	strace $0x80000049;
	[dreg:$0x1] =	wrdreg $0xFFFFFFFF  }
0xa7: {  	s28 =	simm.s32 $_size_execute0_lowered;
	s2 =	sadd.s32 s2, s4;
	[dreg:$0x0] =	wrdreg $0x0  }
0xa8: {  	s4 =	sshll.u32 s28, $0x1;
	[dreg:$0x2] =	wrdreg s2  }
0xa9: {  	[dreg:$0x3] =	wrdreg s4  }
0xaa: {  	[dreg:$0x4] =	wrdreg $0xC0  }
0xab: {  	_ =	task [dreg:s6], $0x5FFFF  }
0xac: {  	[dreg:$0x1] =	wrdreg $0xFFFFFFFF  }
0xad: {  	[dreg:$0x0] =	wrdreg $0x60  }
0xae: {  	[dreg:$0x2] =	wrdreg s24  }
0xaf: {  	[dreg:$0x3] =	wrdreg $0x1D1000  }
0xb0: {  	[dreg:$0x4] =	wrdreg $0x9  }
0xb1: {  	_ =	task.clear_ibuf [dreg:s6], $0x5FFFF;
	_ =	strace $0x90000049  }
0xb2: {  	s29 =	simm.s32 $0x9;
	_ =	strace $0x8000004B  }
0xb3: {  	_ =	swait.ge [sflag:s29], $0x1  }
0xb4: {  	[sflag:s29] =	ssyncadd.s32 $0xFFFFFFFF  }
0xb5: {  	_ =	strace $0x9000004B  }
0xb6: {  	_ =	sfence  }
0xb7: {  	s30 =	sld [smem:$0x0];
	_ =	sdelay $0x2  }
0xb8: {  	s31 =	sshll.u32 s1, $0xD;
	s1 =	sshrl.u32 s1, $0x2  }
0xb9: {  	s3 =	sand.u32 $0x4000, s31;
	s1 =	sadd.s32 s1, s30  }
0xba: {  	s0 =	sor.u32 s3, s0;
	s1 =	sshll.u32 s1, $0x11  }
0xbb: {  	s0 =	sor.u32 s1, s0  }
0xbc: {  	s0 =	sadd.s32 $0x8F2B, s0  }
0xbd: {  	[sflag:s0] =	ssyncadd.remote.s32 $0x1  }
0xbe: {  	_ =	sfence.sel $0xFFFF  }
0xbf: {  	[dreg:$0x0] =	wrdreg $0xFFFFFFFF;
	(pc) =	sbr.abs _section_cstart, $3  }
0xc0: {  	[dreg:$0x1] =	wrdreg $0xFFFFFFFF  }
0xc1: {  	_ =	task.clear_ibuf [dreg:s6], $0x2FFFF;
	_ =	strace $0x9FFFFFFF  }
0xc2: {  	(tm) =	ssettm $0x7FFFFFFF  }
0xc3: {  	_ =	shalt  }
tec
execute0_lowered:
.L_overlay_start_1:
0x0: {  	(tag) =	ssettag $0x1  }
0x1: {  	s4 =	rddreg [dreg:$0x0]  }
0x2: {  	s2 =	rddreg [dreg:$0x1]  }
0x3: {  	s0 =	rddreg [dreg:$0x2]  }
0x4: {  	s3 =	simm.s32 $0x0;
	s5 =	srdreg.scid;
	s1 =	stileid.u32  }
0x5: {  	s5 =	sand.u32 $0x1, s5;
	s6 =	sshll.u32 s1, $0x1;
	s7 =	smul.u32 $0x2800, s1  }
0x6: {  	s13 =	simm.s32 $0x2;
	s9 =	sor.u32 s5, s6;
	s31 =	smul.u32 $0x28000, s5  }
0x7: {  	s14 =	simm.s32 $0x0;
	[smem:$0x7FF] =	sst s3;
	s8 =	smul.u32 $0x320, s9  }
0x8: {  	_ =	strace $0x8000004A;
	s5 =	ssub.s32 $0x2, s5;
	s10 =	smul.u32 $0x3200, s9  }
0x9: {  	s11 =	sshrl.u32 s5, $0x1;
	p0 =	sgt.u32 s9, $0x18;
	s9 =	simm.s32 $0x1A900  }
.Ltmp0:
0xa: {  	s6 =	sadd.s32 s7, s31;
	s11 =	ssub.s32 s5, s11;
	(pc) =	sbr.rel .LBB2_1-.Ltmp0, $4  }
0xb: {  	s8 =	sadd.s32 s8, s4;
	s6 =	sshrl.u32 s6, $0x3;
	s10 =	sadd.s32 s10, s4  }
0xc: {  	s12 =	sadd.s32 s6, s4;
	s4 =	sadd.s32 $0x6800, s10;
	s5 =	sadd.s32 $0x1800, s8  }
0xd: {  	s6 =	sadd.s32 s7, s2;
	s8 =	smax.u32 s11, $0x1;
	s10 =	simm.s32 $0x3  }
0xe: {  	v0 =	vimm.f32 $0.0e+00;
	s11 =	simm.s32 $0x1;
	s7 =	sadd.s32 $0x54A00, s12;
	s12 =	simm.s32 $0x80  }
.LBB2_7:
0xf: {  	[bflag:$0x0] =	sbarrier.arrive $0xFFFF  }
.LBB2_8:
0x10: {  	[bflag:$0x0] =	sbarrier.arrive $0xFFFF  }
0x11: {  	[tilespmem:s9], [sflag:$0x3] =	stream.linear.gather [spmem:s6], $0x2800, $0x38;
	[tilespmem:$0x1F900] =	vst v63  }
0x12: {  	s14 =	sadd.s32 $0x1, s14;
	_ =	swait.ge [sflag:s10], $0x2800  }
0x13: {  	p1 =	sne.s32 s14, s8;
	[sflag:s10] =	ssyncset.done $0x0  }
.Ltmp1:
0x14: {  	[sflag:s10] =	ssyncadd.s32 $0xFFFFD800;
	(pc) =	sbr.rel @!p1 .LBB2_9-.Ltmp1, $4  }
0x15: {  	[hbm4b:s7+s3] =	stream.linear.scatter [tilespmem:s9], [sflag:$0x3], $0x2800, $0x38;
	[tilespmem:$0x1F900] =	vst v63  }
0x16: {  	_ =	swait.ge [sflag:s10], $0x2800  }
0x17: {  	[sflag:s10] =	ssyncset.done $0x0  }
0x18: {  	[sflag:s10] =	ssyncadd.s32 $0xFFFFD800  }
.LBB2_1:
0x19: {  	s15 =	simm.s32 $0x40;
	s16 =	simm.s32 $0x0  }
.LBB2_2:
0x1a: {  	p1 =	sne.s32 s15, $0x9FC0;
	[tilespmem:s16+$0x1A900] =	vst v0;
	s16 =	smov.u32 s15;
	s15 =	sadd.s32 $0x40, s15  }
.Ltmp2:
0x1b: {  	(pc) =	sbr.rel @p1 .LBB2_2-.Ltmp2, $2  }
0x1c: {  	_ =	sdelay $0x2  }
0x1d: {  	s16 =	sshra.s32 s16, $0x2  }
0x1e: {  	[tilespmem:s16+$0x1A900] =	vst v0;
	s15 =	simm.s32 @!p0 $0x0;
	s16 =	simm.s32 @!p0 $0x1900  }
0x1f: {  	[tilespmem:s16], [sflag:$0x1] =	stream.linear.gather @!p0 [hbm4b:s4+s15], $0x19000, $0x38;
	[tilespmem:$0x1F900] =	vst v63  }
0x20: {  	_ = 	snop  }
0x21: {  	[tilespmem:s15], [sflag:$0x3] =	stream.linear.gather @!p0 [hbm4b:s5+s15], $0x1900, $0x38;
	[tilespmem:$0x1F900] =	vst v63  }
0x22: {  	s15 =	simm.s32 @!p0 $0x3  }
0x23: {  	_ =	swait.ge @!p0 [sflag:s15], $0x1900  }
0x24: {  	[sflag:s15] =	ssyncset.done @!p0 $0x0  }
.Ltmp3:
0x25: {  	[sflag:s15] =	ssyncadd.s32 @!p0 $0xFFFFE700;
	(pc) =	sbr.rel @p0 .LBB2_7-.Ltmp3, $4  }
0x26: {  	[spmem:s6] =	stream.linear.scatter [tilespmem:s9], [sflag:$0x3], $0x2800, $0x38;
	[tilespmem:$0x1F900] =	vst v63  }
0x27: {  	_ =	swait.ge [sflag:s10], $0x2800  }
0x28: {  	[sflag:s10] =	ssyncset.done $0x0  }
0x29: {  	[sflag:s10] =	ssyncadd.s32 $0xFFFFD800  }
0x2a: {  	_ =	swait.ge [sflag:s11], $0x19000  }
0x2b: {  	[sflag:s11] =	ssyncset.done $0x0  }
0x2c: {  	s15 =	simm.s32 $0x1900;
	s16 =	simm.s32 $0x200;
	[sflag:s11] =	ssyncadd.s32 $0xFFFE7000  }
0x2d: {  	s18 =	simm.s32 $0x0;
	s17 =	simm.s32 $0x2100;
	[bflag:$0x0] =	sbarrier.arrive $0xFFFF  }
.LBB2_5:
0x2e: {  	[spmem:s2] =	stream.indirect.scatter.add.f32 [tilespmem:s15], [sflag:$0x2], $0x10, s18, s12, $0xb8;
	[tilespmem:$0x1F900] =	vst v63  }
0x2f: {  	s18 =	smov.u32 s16;
	s15 =	smov.u32 s17;
	p1 =	sne.s32 s16, $0x6200  }
.Ltmp4:
0x30: {  	s16 =	sadd.s32 $0x200, s16;
	(pc) =	sbr.rel @p1 .LBB2_5-.Ltmp4, $2  }
0x31: {  	_ =	sdelay $0x2  }
0x32: {  	s17 =	sadd.s32 $0x800, s17;
	s18 =	sshra.s32 s18, $0x2  }
.Ltmp5:
0x33: {  	(pc) =	sbr.rel .LBB2_8-.Ltmp5, $4  }
0x34: {  	[spmem:s2] =	stream.indirect.scatter.add.f32 [tilespmem:s15], [sflag:$0x2], $0x10, s18, s12, $0xb8;
	[tilespmem:$0x1F900] =	vst v63  }
0x35: {  	_ =	swait.ge [sflag:s13], $0x19000  }
0x36: {  	[sflag:s13] =	ssyncset.done $0x0  }
0x37: {  	[sflag:s13] =	ssyncadd.s32 $0xFFFE7000  }
.LBB2_9:
0x38: {  	_ =	sfence.sel $0x180000  }
0x39: {  	[bflag:$0x0] =	sbarrier.arrive $0xFFFF  }
0x3a: {  	p0 =	sne.s32 s1, $0x0;
	_ =	strace $0x9000004A  }
0x3b: {  	s0 =	sadd.s32 @!p0 $0x100000, s0;
	[bflag:$0x2] =	sbarrier.arrive $0xFFFF  }
0x3c: {  	[sflag:s0] =	ssyncadd.tile.s32 @!p0 $0x1;
	_ =	shalt  }
.Lfunc_end2:
_tile_overlayer_lowered:
.L_overlay_start_2:
0x3d: {  	(tag) =	ssettag $0x2  }
0x3e: {  	s0 =	rddreg [dreg:$0x0];
	s2 =	stileid.u32  }
0x3f: {  	s1 =	rddreg [dreg:$0x1];
	p0 =	sne.s32 s2, $0x0  }
0x40: {  	s3 =	rddreg [dreg:$0x2];
	[bflag:$0x3] =	sbarrier.arrive $0xFFFF;
	s2 =	simm.s32 @!p0 $0x1C03  }
0x41: {  	[timem:s3], [sflag:s2] =	dma.local @!p0 [hbm:s0], s1  }
0x42: {  	s0 =	simm.s32 @!p0 $0x3  }
0x43: {  	_ =	swait.ge @!p0 [sflag:s0], s1  }
0x44: {  	s1 =	ssub.s32 @!p0 $0x0, s1;
	[sflag:s0] =	ssyncset.done @!p0 $0x0  }
0x45: {  	[sflag:s0] =	ssyncadd.s32 @!p0 s1  }
0x46: {  	[bflag:$0x3] =	sbarrier.arrive $0xFFFF  }
0x47: {  	_ =	shalt  }

</sc_bundles>
